<compile_context>
chip_gen: v7x
topology: tpu7x:2x2x1
jax: 0.10.2.dev20260603
libtpu: 0.0.44.dev20260713+nightly
codegen_flags: <defaults>
</compile_context>

<pallas_src>
import functools

import jax
import jax.numpy as jnp
from jax import lax
from jax.experimental import pallas as pl
from jax.experimental.pallas import tpu as pltpu
from jax.experimental.pallas import tpu_sc as plsc

_B = 16
_N = 1024
_D = 1152
_K = 16
_OUT = 32
_BK = _B * _K
_BO = _B * _OUT


def _silu(v):
    return v * jax.nn.sigmoid(v)


def _esel():
    kk = jax.lax.broadcasted_iota(jnp.int32, (_K, _BK), 0)
    ll = jax.lax.broadcasted_iota(jnp.int32, (_K, _BK), 1)
    kl = (ll % 4) * 4 + ((ll // 64) % 2) * 2 + ll // 128
    return (kk == kl).astype(jnp.float32)


_SC_GATHER_CACHE = []


def _sc_gather(y_table, y_idx):
    if not _SC_GATHER_CACHE:
        @functools.partial(
            pl.kernel,
            mesh=plsc.VectorSubcoreMesh(core_axis_name="c",
                                        subcore_axis_name="s"),
            out_type=jax.ShapeDtypeStruct((_B, _D), jnp.float32),
            scratch_types=[pltpu.VMEM((_B,), jnp.int32),
                           pltpu.VMEM((_B, _D), jnp.float32),
                           pltpu.SemaphoreType.DMA],
        )
        def _k(ytab_hbm, y_hbm, out_hbm, idx_v, rows_v, sem):
            wid = lax.axis_index("s") * 2 + lax.axis_index("c")

            @pl.when(wid == 0)
            def _():
                pltpu.sync_copy(y_hbm, idx_v)
                pltpu.async_copy(ytab_hbm.at[idx_v], rows_v, sem).wait()
                pltpu.sync_copy(rows_v, out_hbm)

        _SC_GATHER_CACHE.append(_k)
    return _SC_GATHER_CACHE[0](y_table, y_idx)


def _cond_pre_kernel(t_ref, fr_ref, wt1_ref, bt1_ref, wt2_ref, bt2_ref,
                     yemb_ref, wada_ref, bada_ref, pos_ref, bp_ref,
                     wp_ref, wproj_ref, bproj_ref,
                     qw_ref, pb_ref, pn_ref, gbig_ref, sbig_ref, wbarbig_ref,
                     mbig_ref, posw_ref, soff_ref):
    args = t_ref[...] * fr_ref[...]
    emb = jnp.concatenate([jnp.sin(args), jnp.cos(args)], axis=-1)
    h = jnp.dot(emb, wt1_ref[...], preferred_element_type=jnp.float32)
    h = _silu(h + bt1_ref[...])
    temb = jnp.dot(h, wt2_ref[...], preferred_element_type=jnp.float32)
    temb = temb + bt2_ref[...]
    s = _silu(temb + yemb_ref[...])

    ada = jnp.dot(s, wada_ref[...], preferred_element_type=jnp.float32)
    ada = ada + bada_ref[...]
    shift = ada[:, :_D]
    sc1 = 1.0 + ada[:, _D:]

    posq = pos_ref[...] + bp_ref[...]
    pb_ref[...] = jnp.mean(posq, axis=1, keepdims=True)
    pn_ref[...] = jnp.sum(posq * posq, axis=1, keepdims=True)
    wp = wp_ref[...]
    qw = jax.lax.dot_general(posq, wp, (((1,), (1,)), ((), ())),
                             preferred_element_type=jnp.float32)
    qw_ref[...] = qw
    g = jax.lax.dot_general(wp, wp, (((1,), (1,)), ((), ())),
                            preferred_element_type=jnp.float32)
    wbarc = jnp.mean(wp, axis=1, keepdims=True)

    bi = jax.lax.broadcasted_iota(jnp.int32, (_B, _BO), 0)
    ci = jax.lax.broadcasted_iota(jnp.int32, (_B, _BO), 1)
    rsel = (bi == ci // _OUT).astype(jnp.float32)
    oi = jax.lax.broadcasted_iota(jnp.int32, (_OUT, _BO), 0)
    cj = jax.lax.broadcasted_iota(jnp.int32, (_OUT, _BO), 1)
    tsel = (oi == cj % _OUT).astype(jnp.float32)
    scale_exp = jax.lax.dot_general(sc1, rsel, (((0,), (0,)), ((), ())),
                                    preferred_element_type=jnp.float32)
    wtile = jnp.dot(wproj_ref[...], tsel, preferred_element_type=jnp.float32)
    wball = (scale_exp * wtile).astype(jnp.bfloat16)

    posw_ref[...] = jnp.dot(posq.astype(jnp.bfloat16), wball,
                            preferred_element_type=jnp.float32)
    mball = jnp.dot(wp.astype(jnp.bfloat16), wball,
                    preferred_element_type=jnp.float32)

    esel = _esel()
    gex = jax.lax.dot_general(esel, g, (((0,), (0,)), ((), ())),
                              preferred_element_type=jnp.float32)
    rg = jax.lax.broadcasted_iota(jnp.int32, (_BK, _BK), 0)
    cg = jax.lax.broadcasted_iota(jnp.int32, (_BK, _BK), 1)
    bmask = ((rg // 4) % _B == (cg // 4) % _B).astype(jnp.float32)
    gbig_ref[...] = jnp.dot(gex, esel,
                            preferred_element_type=jnp.float32) * bmask
    rs_ = jax.lax.broadcasted_iota(jnp.int32, (_BK, _B), 0)
    cs_ = jax.lax.broadcasted_iota(jnp.int32, (_BK, _B), 1)
    dsel = ((rs_ // 4) % _B == cs_).astype(jnp.float32)
    sbig_ref[...] = dsel
    wbar_r = jax.lax.dot_general(esel, wbarc, (((0,), (0,)), ((), ())),
                                 preferred_element_type=jnp.float32)
    wbarbig_ref[...] = dsel * wbar_r
    rm = jax.lax.broadcasted_iota(jnp.int32, (_BK, _BO), 0)
    cm = jax.lax.broadcasted_iota(jnp.int32, (_BK, _BO), 1)
    mex = jax.lax.dot_general(esel, mball, (((0,), (0,)), ((), ())),
                              preferred_element_type=jnp.float32)
    mbig_ref[...] = (mex * ((rm // 4) % _B == cm // _OUT
                            ).astype(jnp.float32)).astype(jnp.bfloat16)

    s_all = jnp.dot(sc1, wproj_ref[...], preferred_element_type=jnp.float32)
    off_all = jnp.dot(shift, wproj_ref[...],
                      preferred_element_type=jnp.float32) + bproj_ref[...]
    soff_ref[...] = jnp.concatenate(
        [s_all.reshape(1, _B, _OUT), off_all.reshape(1, _B, _OUT)], axis=0)


def _main_kernel(x_ref, gbig_ref, sbig_ref, wbarbig_ref, qw_ref, pb_ref,
                 pn_ref, mbig_ref, posw_ref, soff_ref, out_ref):
    blocks = []
    for s in range(8):
        xs = jnp.transpose(x_ref[:, 8 * s:8 * s + 8, :], (1, 0, 2))
        xs = xs.reshape(8 * 64, 64)
        xtr = jnp.transpose(xs)
        for ii in range(4):
            v = xtr[:, ii * 128:(ii + 1) * 128]
            v2 = v.reshape(32, 2, 128)
            blocks.append(jnp.concatenate([v2[:, 0, :], v2[:, 1, :]], axis=1))
    af2 = jnp.concatenate(blocks, axis=0)
    a2 = af2.astype(jnp.bfloat16)

    p1g = jnp.dot(af2, gbig_ref[...], preferred_element_type=jnp.float32)
    qwt = jnp.dot(qw_ref[...], _esel(),
                  preferred_element_type=jnp.float32)
    v2 = af2 * (p1g + 2.0 * qwt)
    gqc = jnp.dot(v2, sbig_ref[...], preferred_element_type=jnp.float32)
    mu2 = jnp.dot(af2, wbarbig_ref[...],
                  preferred_element_type=jnp.float32) + pb_ref[...]
    msq = (gqc + pn_ref[...]) * (1.0 / _D)
    rs2 = jax.lax.rsqrt(msq - mu2 * mu2 + 1e-6)
    raw = jnp.dot(a2, mbig_ref[...],
                  preferred_element_type=jnp.float32) + posw_ref[...]
    ri = jax.lax.broadcasted_iota(jnp.int32, (_B, _BO), 0)
    ci = jax.lax.broadcasted_iota(jnp.int32, (_B, _BO), 1)
    rb = (ri == ci // _OUT).astype(jnp.float32)
    rsb = jnp.dot(rs2, rb, preferred_element_type=jnp.float32)
    rsmub = jnp.dot(rs2 * mu2, rb, preferred_element_type=jnp.float32)
    out_ref[...] = (rsb * raw - rsmub * soff_ref[0] + soff_ref[1])


def kernel(x, t, y, W_patch, b_patch, pos_embed, freqs, W_t1, b_t1, W_t2, b_t2,
           y_table, W_ada, b_ada, W_proj, b_proj):
    x4 = x.reshape(_B * 4, 64, 64)
    t2 = t.reshape(_B, 1)
    fr2 = freqs.reshape(1, _D // 2)
    pos2 = pos_embed.reshape(_N, _D)
    yemb = _sc_gather(y_table, y.astype(jnp.int32))

    (qw, pb, pn, gbig, sbig, wbarbig, mbig, posw, soff_u) = pl.pallas_call(
        _cond_pre_kernel,
        out_shape=(jax.ShapeDtypeStruct((_N, _K), jnp.float32),
                   jax.ShapeDtypeStruct((_N, 1), jnp.float32),
                   jax.ShapeDtypeStruct((_N, 1), jnp.float32),
                   jax.ShapeDtypeStruct((_BK, _BK), jnp.float32),
                   jax.ShapeDtypeStruct((_BK, _B), jnp.float32),
                   jax.ShapeDtypeStruct((_BK, _B), jnp.float32),
                   jax.ShapeDtypeStruct((_BK, _BO), jnp.bfloat16),
                   jax.ShapeDtypeStruct((_N, _BO), jnp.float32),
                   jax.ShapeDtypeStruct((2, _B, _OUT), jnp.float32)),
    )(t2, fr2, W_t1, b_t1.reshape(1, _D), W_t2, b_t2.reshape(1, _D),
      yemb, W_ada, b_ada.reshape(1, 2 * _D), pos2,
      b_patch.reshape(1, _D), W_patch, W_proj, b_proj.reshape(1, _OUT))
    soff = soff_u.reshape(2, 1, _BO)

    out_all = pl.pallas_call(
        _main_kernel,
        out_shape=jax.ShapeDtypeStruct((_N, _BO), jnp.float32),
    )(x4, gbig, sbig, wbarbig, qw, pb, pn, mbig, posw, soff)
    out = out_all.reshape(_N, _B, _OUT).transpose(1, 0, 2)
    return out

# --- scband reference (transcript-rebuilt; emitter-appended) ---
"""Pipeline reference for scband-delta-net-di-t-38878043964070 (READ-ONLY COPY).

The authoritative reference and input builder live on the scoring server;
editing this copy changes nothing except your own understanding.
"""

import jax, jax.numpy as jnp
import numpy as np
import math

B = 16
C = 4
H = 64
P = 2
D = 1152
OC = 8  # in_channels * 2 (predict velocity + x1)
N = (H // P) ** 2  # 1024 tokens
NUM_CLASSES = 1000


def setup_inputs(seed: int = 0) -> dict:
    key = jax.random.key(seed)
    ks = jax.random.split(key, 16)
    x = jax.random.normal(ks[0], (B, C, H, H), dtype=jnp.float32)
    t = jax.random.uniform(ks[1], (B,), dtype=jnp.float32)
    y = jax.random.randint(ks[2], (B,), 0, NUM_CLASSES)
    # patch embedder (conv with stride=patch == linear over flattened patches)
    W_patch = jax.random.normal(ks[3], (C * P * P, D), dtype=jnp.float32) * 0.02
    b_patch = jnp.zeros((D,), dtype=jnp.float32)
    pos_embed = jax.random.normal(ks[4], (1, N, D), dtype=jnp.float32) * 0.02
    # sinusoidal FlowTimeEmbedder buffers + MLP
    half = D // 2
    freqs = jnp.exp(-math.log(10000.0) * jnp.arange(half, dtype=jnp.float32) / half)
    W_t1 = jax.random.normal(ks[5], (D, D), dtype=jnp.float32) * 0.02
    b_t1 = jnp.zeros((D,), dtype=jnp.float32)
    W_t2 = jax.random.normal(ks[6], (D, D), dtype=jnp.float32) * 0.02
    b_t2 = jnp.zeros((D,), dtype=jnp.float32)
    # class embedder table (extra row for null class / dropout)
    y_table = jax.random.normal(ks[7], (NUM_CLASSES + 1, D), dtype=jnp.float32) * 0.02
    # FinalLayer: adaLN modulation + projection to patch output
    W_ada = jax.random.normal(ks[8], (D, 2 * D), dtype=jnp.float32) * 0.02
    b_ada = jnp.zeros((2 * D,), dtype=jnp.float32)
    W_proj = jax.random.normal(ks[9], (D, P * P * OC), dtype=jnp.float32) * 0.02
    b_proj = jnp.zeros((P * P * OC,), dtype=jnp.float32)
    return {
        "x": x, "t": t, "y": y,
        "W_patch": W_patch, "b_patch": b_patch, "pos_embed": pos_embed,
        "freqs": freqs, "W_t1": W_t1, "b_t1": b_t1, "W_t2": W_t2, "b_t2": b_t2,
        "y_table": y_table, "W_ada": W_ada, "b_ada": b_ada,
        "W_proj": W_proj, "b_proj": b_proj,
    }


def _silu(v):
    return v * jax.nn.sigmoid(v)


def reference(x, t, y, W_patch, b_patch, pos_embed, freqs, W_t1, b_t1, W_t2, b_t2,
              y_table, W_ada, b_ada, W_proj, b_proj):
    Bb, Cc, Hh, Ww = x.shape
    p = P
    hp, wp = Hh // p, Ww // p
    # patchify (== Conv2d(C, D, kernel=p, stride=p))
    xt = x.reshape(Bb, Cc, hp, p, wp, p).transpose(0, 2, 4, 1, 3, 5).reshape(Bb, hp * wp, Cc * p * p)
    tok = xt @ W_patch + b_patch + pos_embed
    # FlowTimeEmbedder (sinusoidal)
    args = t[:, None] * freqs[None, :]
    emb = jnp.concatenate([jnp.sin(args), jnp.cos(args)], axis=-1)
    h = emb @ W_t1 + b_t1
    h = _silu(h)
    temb = h @ W_t2 + b_t2
    # class conditioning (gather into embedding table)
    c = temb + jnp.take(y_table, y, axis=0)
    # FinalLayer: adaLN modulation
    ada = _silu(c) @ W_ada + b_ada
    shift, scale = jnp.split(ada, 2, axis=1)
    mu = tok.mean(axis=-1, keepdims=True)
    var = tok.var(axis=-1, keepdims=True)
    xn = (tok - mu) / jnp.sqrt(var + 1e-6)
    xm = xn * (1.0 + scale[:, None, :]) + shift[:, None, :]
    out = xm @ W_proj + b_proj
    return out

if __name__ == "__main__":
    import jax
    _d = setup_inputs()
    print(jax.jit(kernel)(*tuple(_d.values())))

</pallas_src>

<mosaic_0001>
#map = affine_map<(d0, d1) -> (0, 0)>
#map1 = affine_map<(d0, d1) -> (0)>
module attributes {stable_mosaic.version = 14 : i64} {
  func.func @_k(%arg0: i32, %arg1: i32, %arg2: memref<1001x1152xf32, #tpu.memory_space<hbm>>, %arg3: memref<16xi32, #tpu.memory_space<hbm>>, %arg4: memref<16x1152xf32, #tpu.memory_space<hbm>>, %arg5: memref<16xi32, #tpu.memory_space<vmem>>, %arg6: memref<16x1152xf32, #tpu.memory_space<vmem>>, %arg7: memref<!tpu.dma_semaphore, #tpu.memory_space<semaphore_mem>>) attributes {dimension_semantics = [#tpu.dimension_semantics<core_parallel>, #tpu.dimension_semantics<subcore_parallel>], iteration_bounds = array<i64: 2, 16>, scalar_prefetch = 0 : i64, scratch_operands = 3 : i64, tpu.core_type = #tpu.core_type<sc_vector_subcore>, window_params = [{transform_indices = #map}, {transform_indices = #map1}, {transform_indices = #map}]} {
    %mul3A = arith.constant 2 : i32
    %mul3A_0 = arith.muli %arg1, %mul3A : i32
    %add3A = arith.addi %mul3A_0, %arg0 : i32
    %eq3A = arith.constant 0 : i32
    %eq3A_1 = arith.cmpi eq, %add3A, %eq3A : i32
    %convert_element_type3A = arith.extui %eq3A_1 : i1 to i32
    %cond3A = arith.constant 0 : i32
    %cond3A_2 = arith.cmpi ne, %convert_element_type3A, %cond3A : i32
    scf.if %cond3A_2 {
      "tpu.region"() ({
        %run_scoped3A = tpu.sem_alloc : memref<!tpu.dma_semaphore, #tpu.memory_space<semaphore_mem>>
        tpu.enqueue_dma source(%arg3 : memref<16xi32, #tpu.memory_space<hbm>>) target(%arg5 : memref<16xi32, #tpu.memory_space<vmem>>) target_semaphore(%run_scoped3A : memref<!tpu.dma_semaphore, #tpu.memory_space<semaphore_mem>>)
        tpu.wait_dma2 semaphore(%run_scoped3A : memref<!tpu.dma_semaphore, #tpu.memory_space<semaphore_mem>>) src(%arg3 : memref<16xi32, #tpu.memory_space<hbm>>) dst(%arg5 : memref<16xi32, #tpu.memory_space<vmem>>)
        tpu.yield
      }) : () -> ()
      %dma_start3A = arith.constant 0 : i32
      %dma_start3A_3 = arith.constant 0 : i32
      %dma_start3A_4 = tpu.memref_slice %arg2[%dma_start3A, %dma_start3A_3] : memref<1001x1152xf32, #tpu.memory_space<hbm>> -> memref<1001x1152xf32, #tpu.memory_space<hbm>>
      tpu.enqueue_indirect_dma source(%dma_start3A_4 : memref<1001x1152xf32, #tpu.memory_space<hbm>>) target(%arg6 : memref<16x1152xf32, #tpu.memory_space<vmem>>) offsets(%arg5 : memref<16xi32, #tpu.memory_space<vmem>>) semaphore(%arg7 : memref<!tpu.dma_semaphore, #tpu.memory_space<semaphore_mem>>)
      %dma_wait3A = arith.constant 0 : i32
      %dma_wait3A_5 = arith.constant 0 : i32
      %dma_wait3A_6 = tpu.memref_slice %arg2[%dma_wait3A, %dma_wait3A_5] : memref<1001x1152xf32, #tpu.memory_space<hbm>> -> memref<1001x1152xf32, #tpu.memory_space<hbm>>
      tpu.wait_indirect_dma semaphore(%arg7 : memref<!tpu.dma_semaphore, #tpu.memory_space<semaphore_mem>>) src(%dma_wait3A_6 : memref<1001x1152xf32, #tpu.memory_space<hbm>>) dst(%arg6 : memref<16x1152xf32, #tpu.memory_space<vmem>>)
      "tpu.region"() ({
        %run_scoped3A = tpu.sem_alloc : memref<!tpu.dma_semaphore, #tpu.memory_space<semaphore_mem>>
        tpu.enqueue_dma source(%arg6 : memref<16x1152xf32, #tpu.memory_space<vmem>>) target(%arg4 : memref<16x1152xf32, #tpu.memory_space<hbm>>) target_semaphore(%run_scoped3A : memref<!tpu.dma_semaphore, #tpu.memory_space<semaphore_mem>>)
        tpu.wait_dma2 semaphore(%run_scoped3A : memref<!tpu.dma_semaphore, #tpu.memory_space<semaphore_mem>>) src(%arg6 : memref<16x1152xf32, #tpu.memory_space<vmem>>) dst(%arg4 : memref<16x1152xf32, #tpu.memory_space<hbm>>)
        tpu.yield
      }) : () -> ()
    } else {
    }
    return
  }
}

module attributes {stable_mosaic.version = 14 : i64} {
  func.func @_cond_pre_kernel(%arg0: memref<16x1xf32, #tpu.memory_space<vmem>>, %arg1: memref<1x576xf32, #tpu.memory_space<vmem>>, %arg2: memref<1152x1152xf32, #tpu.memory_space<vmem>>, %arg3: memref<1x1152xf32, #tpu.memory_space<vmem>>, %arg4: memref<1152x1152xf32, #tpu.memory_space<vmem>>, %arg5: memref<1x1152xf32, #tpu.memory_space<vmem>>, %arg6: memref<16x1152xf32, #tpu.memory_space<vmem>>, %arg7: memref<1152x2304xf32, #tpu.memory_space<vmem>>, %arg8: memref<1x2304xf32, #tpu.memory_space<vmem>>, %arg9: memref<1024x1152xf32, #tpu.memory_space<vmem>>, %arg10: memref<1x1152xf32, #tpu.memory_space<vmem>>, %arg11: memref<16x1152xf32, #tpu.memory_space<vmem>>, %arg12: memref<1152x32xf32, #tpu.memory_space<vmem>>, %arg13: memref<1x32xf32, #tpu.memory_space<vmem>>, %arg14: memref<1024x16xf32, #tpu.memory_space<vmem>>, %arg15: memref<1024x1xf32, #tpu.memory_space<vmem>>, %arg16: memref<1024x1xf32, #tpu.memory_space<vmem>>, %arg17: memref<256x256xf32, #tpu.memory_space<vmem>>, %arg18: memref<256x16xf32, #tpu.memory_space<vmem>>, %arg19: memref<256x16xf32, #tpu.memory_space<vmem>>, %arg20: memref<256x512xbf16, #tpu.memory_space<vmem>>, %arg21: memref<1024x512xf32, #tpu.memory_space<vmem>>, %arg22: memref<2x16x32xf32, #tpu.memory_space<vmem>>) attributes {dimension_semantics = [], scalar_prefetch = 0 : i64, scratch_operands = 0 : i64, tpu.core_type = #tpu.core_type<tc>} {
    %get3A = arith.constant 0 : index
    %get3A_0 = arith.constant 0 : index
    %get3A_1 = vector.load %arg0[%get3A, %get3A_0] : memref<16x1xf32, #tpu.memory_space<vmem>>, vector<16x1xf32>
    %get3A_2 = arith.constant 0 : index
    %get3A_3 = arith.constant 0 : index
    %get3A_4 = vector.load %arg1[%get3A_2, %get3A_3] : memref<1x576xf32, #tpu.memory_space<vmem>>, vector<1x576xf32>
    %mul3A = vector.broadcast %get3A_1 : vector<16x1xf32> to vector<16x576xf32>
    %mul3A_5 = vector.broadcast %get3A_4 : vector<1x576xf32> to vector<16x576xf32>
    %mul3A_6 = arith.mulf %mul3A, %mul3A_5 : vector<16x576xf32>
    %sin3A = math.sin %mul3A_6 : vector<16x576xf32>
    %cos3A = math.cos %mul3A_6 : vector<16x576xf32>
    %concatenate3A = tpu.concatenate %sin3A, %cos3A in 1 : vector<16x576xf32>, vector<16x576xf32> -> vector<16x1152xf32>
    %get3A_7 = arith.constant 0 : index
    %get3A_8 = arith.constant 0 : index
    %get3A_9 = vector.load %arg2[%get3A_7, %get3A_8] : memref<1152x1152xf32, #tpu.memory_space<vmem>>, vector<1152x1152xf32>
    %dot_general3A = arith.constant dense<0.000000e+00> : vector<16x1152xf32>
    %dot_general3A_10 = tpu.matmul %concatenate3A, %get3A_9, %dot_general3A {dimension_numbers = #tpu.dot_dimension_numbers<[1], [0], [0], [1], [0, 0, 1, 1], [], []>, transpose_lhs_hint = false} : vector<16x1152xf32>, vector<1152x1152xf32>, vector<16x1152xf32> -> vector<16x1152xf32>
    %get3A_11 = arith.constant 0 : index
    %get3A_12 = arith.constant 0 : index
    %get3A_13 = vector.load %arg3[%get3A_11, %get3A_12] : memref<1x1152xf32, #tpu.memory_space<vmem>>, vector<1x1152xf32>
    %add3A = vector.broadcast %get3A_13 : vector<1x1152xf32> to vector<16x1152xf32>
    %add3A_14 = arith.addf %dot_general3A_10, %add3A : vector<16x1152xf32>
    %logistic3A = arith.negf %add3A_14 : vector<16x1152xf32>
    %logistic3A_15 = math.exp %logistic3A : vector<16x1152xf32>
    %logistic3A_16 = arith.constant 1.000000e+00 : f32
    %logistic3A_17 = vector.broadcast %logistic3A_16 : f32 to vector<16x1152xf32>
    %logistic3A_18 = arith.addf %logistic3A_17, %logistic3A_15 : vector<16x1152xf32>
    %logistic3A_19 = arith.divf %logistic3A_17, %logistic3A_18 : vector<16x1152xf32>
    %mul3A_20 = arith.mulf %add3A_14, %logistic3A_19 : vector<16x1152xf32>
    %get3A_21 = arith.constant 0 : index
    %get3A_22 = arith.constant 0 : index
    %get3A_23 = vector.load %arg4[%get3A_21, %get3A_22] : memref<1152x1152xf32, #tpu.memory_space<vmem>>, vector<1152x1152xf32>
    %dot_general3A_24 = arith.constant dense<0.000000e+00> : vector<16x1152xf32>
    %dot_general3A_25 = tpu.matmul %mul3A_20, %get3A_23, %dot_general3A_24 {dimension_numbers = #tpu.dot_dimension_numbers<[1], [0], [0], [1], [0, 0, 1, 1], [], []>, transpose_lhs_hint = false} : vector<16x1152xf32>, vector<1152x1152xf32>, vector<16x1152xf32> -> vector<16x1152xf32>
    %get3A_26 = arith.constant 0 : index
    %get3A_27 = arith.constant 0 : index
    %get3A_28 = vector.load %arg5[%get3A_26, %get3A_27] : memref<1x1152xf32, #tpu.memory_space<vmem>>, vector<1x1152xf32>
    %add3A_29 = vector.broadcast %get3A_28 : vector<1x1152xf32> to vector<16x1152xf32>
    %add3A_30 = arith.addf %dot_general3A_25, %add3A_29 : vector<16x1152xf32>
    %get3A_31 = arith.constant 0 : index
    %get3A_32 = arith.constant 0 : index
    %get3A_33 = vector.load %arg6[%get3A_31, %get3A_32] : memref<16x1152xf32, #tpu.memory_space<vmem>>, vector<16x1152xf32>
    %add3A_34 = arith.addf %add3A_30, %get3A_33 : vector<16x1152xf32>
    %logistic3A_35 = arith.negf %add3A_34 : vector<16x1152xf32>
    %logistic3A_36 = math.exp %logistic3A_35 : vector<16x1152xf32>
    %logistic3A_37 = arith.constant 1.000000e+00 : f32
    %logistic3A_38 = vector.broadcast %logistic3A_37 : f32 to vector<16x1152xf32>
    %logistic3A_39 = arith.addf %logistic3A_38, %logistic3A_36 : vector<16x1152xf32>
    %logistic3A_40 = arith.divf %logistic3A_38, %logistic3A_39 : vector<16x1152xf32>
    %mul3A_41 = arith.mulf %add3A_34, %logistic3A_40 : vector<16x1152xf32>
    %get3A_42 = arith.constant 0 : index
    %get3A_43 = arith.constant 0 : index
    %get3A_44 = vector.load %arg7[%get3A_42, %get3A_43] : memref<1152x2304xf32, #tpu.memory_space<vmem>>, vector<1152x2304xf32>
    %dot_general3A_45 = arith.constant dense<0.000000e+00> : vector<16x2304xf32>
    %dot_general3A_46 = tpu.matmul %mul3A_41, %get3A_44, %dot_general3A_45 {dimension_numbers = #tpu.dot_dimension_numbers<[1], [0], [0], [1], [0, 0, 1, 1], [], []>, transpose_lhs_hint = false} : vector<16x1152xf32>, vector<1152x2304xf32>, vector<16x2304xf32> -> vector<16x2304xf32>
    %get3A_47 = arith.constant 0 : index
    %get3A_48 = arith.constant 0 : index
    %get3A_49 = vector.load %arg8[%get3A_47, %get3A_48] : memref<1x2304xf32, #tpu.memory_space<vmem>>, vector<1x2304xf32>
    %add3A_50 = vector.broadcast %get3A_49 : vector<1x2304xf32> to vector<16x2304xf32>
    %add3A_51 = arith.addf %dot_general3A_46, %add3A_50 : vector<16x2304xf32>
    %slice3A = vector.extract_strided_slice %add3A_51 {offsets = [0, 0], sizes = [16, 1152], strides = [1, 1]} : vector<16x2304xf32> to vector<16x1152xf32>
    %slice3A_52 = vector.extract_strided_slice %add3A_51 {offsets = [0, 1152], sizes = [16, 1152], strides = [1, 1]} : vector<16x2304xf32> to vector<16x1152xf32>
    %add3A_53 = arith.constant 1.000000e+00 : f32
    %add3A_54 = vector.broadcast %add3A_53 : f32 to vector<16x1152xf32>
    %add3A_55 = arith.addf %add3A_54, %slice3A_52 : vector<16x1152xf32>
    %get3A_56 = arith.constant 0 : index
    %get3A_57 = arith.constant 0 : index
    %get3A_58 = vector.load %arg9[%get3A_56, %get3A_57] : memref<1024x1152xf32, #tpu.memory_space<vmem>>, vector<1024x1152xf32>
    %get3A_59 = arith.constant 0 : index
    %get3A_60 = arith.constant 0 : index
    %get3A_61 = vector.load %arg10[%get3A_59, %get3A_60] : memref<1x1152xf32, #tpu.memory_space<vmem>>, vector<1x1152xf32>
    %add3A_62 = vector.broadcast %get3A_61 : vector<1x1152xf32> to vector<1024x1152xf32>
    %add3A_63 = arith.addf %get3A_58, %add3A_62 : vector<1024x1152xf32>
    %reduce_sum3A = arith.constant dense<0.000000e+00> : vector<1024xf32>
    %reduce_sum3A_64 = vector.multi_reduction <add>, %add3A_63, %reduce_sum3A [1] : vector<1024x1152xf32> to vector<1024xf32>
    %broadcast_in_dim3A = vector.shape_cast %reduce_sum3A_64 : vector<1024xf32> to vector<1024x1xf32>
    %div3A = arith.constant 1.152000e+03 : f32
    %div3A_65 = vector.broadcast %div3A : f32 to vector<1024x1xf32>
    %div3A_66 = arith.divf %broadcast_in_dim3A, %div3A_65 : vector<1024x1xf32>
    %swap3A = arith.constant 0 : index
    %swap3A_67 = arith.constant 0 : index
    %swap3A_68 = vector.load %arg15[%swap3A, %swap3A_67] : memref<1024x1xf32, #tpu.memory_space<vmem>>, vector<1024x1xf32>
    tpu.vector_store %arg15[%swap3A, %swap3A_67], %div3A_66 {strides = array<i32>} : memref<1024x1xf32, #tpu.memory_space<vmem>>, vector<1024x1xf32>,
    %mul3A_69 = arith.mulf %add3A_63, %add3A_63 : vector<1024x1152xf32>
    %reduce_sum3A_70 = arith.constant dense<0.000000e+00> : vector<1024xf32>
    %reduce_sum3A_71 = vector.multi_reduction <add>, %mul3A_69, %reduce_sum3A_70 [1] : vector<1024x1152xf32> to vector<1024xf32>
    %broadcast_in_dim3A_72 = vector.shape_cast %reduce_sum3A_71 : vector<1024xf32> to vector<1024x1xf32>
    %swap3A_73 = arith.constant 0 : index
    %swap3A_74 = arith.constant 0 : index
    %swap3A_75 = vector.load %arg16[%swap3A_73, %swap3A_74] : memref<1024x1xf32, #tpu.memory_space<vmem>>, vector<1024x1xf32>
    tpu.vector_store %arg16[%swap3A_73, %swap3A_74], %broadcast_in_dim3A_72 {strides = array<i32>} : memref<1024x1xf32, #tpu.memory_space<vmem>>, vector<1024x1xf32>,
    %get3A_76 = arith.constant 0 : index
    %get3A_77 = arith.constant 0 : index
    %get3A_78 = vector.load %arg11[%get3A_76, %get3A_77] : memref<16x1152xf32, #tpu.memory_space<vmem>>, vector<16x1152xf32>
    %dot_general3A_79 = arith.constant dense<0.000000e+00> : vector<1024x16xf32>
    %dot_general3A_80 = tpu.matmul %add3A_63, %get3A_78, %dot_general3A_79 {dimension_numbers = #tpu.dot_dimension_numbers<[1], [1], [0], [0], [0, 0, 1, 0], [], []>, transpose_lhs_hint = false} : vector<1024x1152xf32>, vector<16x1152xf32>, vector<1024x16xf32> -> vector<1024x16xf32>
    %swap3A_81 = arith.constant 0 : index
    %swap3A_82 = arith.constant 0 : index
    %swap3A_83 = vector.load %arg14[%swap3A_81, %swap3A_82] : memref<1024x16xf32, #tpu.memory_space<vmem>>, vector<1024x16xf32>
    tpu.vector_store %arg14[%swap3A_81, %swap3A_82], %dot_general3A_80 {strides = array<i32>} : memref<1024x16xf32, #tpu.memory_space<vmem>>, vector<1024x16xf32>,
    %dot_general3A_84 = arith.constant dense<0.000000e+00> : vector<16x16xf32>
    %dot_general3A_85 = tpu.matmul %get3A_78, %get3A_78, %dot_general3A_84 {dimension_numbers = #tpu.dot_dimension_numbers<[1], [1], [0], [0], [0, 0, 1, 0], [], []>, transpose_lhs_hint = false} : vector<16x1152xf32>, vector<16x1152xf32>, vector<16x16xf32> -> vector<16x16xf32>
    %reduce_sum3A_86 = arith.constant dense<0.000000e+00> : vector<16xf32>
    %reduce_sum3A_87 = vector.multi_reduction <add>, %get3A_78, %reduce_sum3A_86 [1] : vector<16x1152xf32> to vector<16xf32>
    %broadcast_in_dim3A_88 = vector.shape_cast %reduce_sum3A_87 : vector<16xf32> to vector<16x1xf32>
    %div3A_89 = arith.constant 1.152000e+03 : f32
    %div3A_90 = vector.broadcast %div3A_89 : f32 to vector<16x1xf32>
    %div3A_91 = arith.divf %broadcast_in_dim3A_88, %div3A_90 : vector<16x1xf32>
    %iota3A = tpu.iota {dimensions = array<i32: 0>} : vector<16x512xi32>
    %iota3A_92 = tpu.iota {dimensions = array<i32: 1>} : vector<16x512xi32>
    %jit3A = arith.constant 32 : i32
    %div3A_93 = vector.broadcast %jit3A : i32 to vector<16x512xi32>
    %div3A_94 = arith.divsi %iota3A_92, %div3A_93 : vector<16x512xi32>
    %sign3A = arith.constant 0 : i32
    %sign3A_95 = vector.broadcast %sign3A : i32 to vector<16x512xi32>
    %sign3A_96 = arith.cmpi sgt, %iota3A_92, %sign3A_95 : vector<16x512xi32>
    %sign3A_97 = arith.extui %sign3A_96 : vector<16x512xi1> to vector<16x512xi32>
    %sign3A_98 = arith.constant 0 : i32
    %sign3A_99 = vector.broadcast %sign3A_98 : i32 to vector<16x512xi32>
    %sign3A_100 = arith.cmpi slt, %iota3A_92, %sign3A_99 : vector<16x512xi32>
    %sign3A_101 = arith.extui %sign3A_100 : vector<16x512xi1> to vector<16x512xi32>
    %sign3A_102 = arith.subi %sign3A_97, %sign3A_101 : vector<16x512xi32>
    %sign3A_103 = arith.constant 0 : i32
    %sign3A_104 = arith.cmpi sgt, %jit3A, %sign3A_103 : i32
    %sign3A_105 = arith.extui %sign3A_104 : i1 to i32
    %sign3A_106 = arith.constant 0 : i32
    %sign3A_107 = arith.cmpi slt, %jit3A, %sign3A_106 : i32
    %sign3A_108 = arith.extui %sign3A_107 : i1 to i32
    %sign3A_109 = arith.subi %sign3A_105, %sign3A_108 : i32
    %ne3A = vector.broadcast %sign3A_109 : i32 to vector<16x512xi32>
    %ne3A_110 = arith.cmpi ne, %sign3A_102, %ne3A : vector<16x512xi32>
    %rem3A = vector.broadcast %jit3A : i32 to vector<16x512xi32>
    %rem3A_111 = arith.remsi %iota3A_92, %rem3A : vector<16x512xi32>
    %ne3A_112 = arith.constant 0 : i32
    %ne3A_113 = vector.broadcast %ne3A_112 : i32 to vector<16x512xi32>
    %ne3A_114 = arith.cmpi ne, %rem3A_111, %ne3A_113 : vector<16x512xi32>
    %and3A = arith.andi %ne3A_110, %ne3A_114 : vector<16x512xi1>
    %sub3A = arith.constant 1 : i32
    %sub3A_115 = vector.broadcast %sub3A : i32 to vector<16x512xi32>
    %sub3A_116 = arith.subi %div3A_94, %sub3A_115 : vector<16x512xi32>
    %select_n3A = arith.select %and3A, %sub3A_116, %div3A_94 : vector<16x512xi1>, vector<16x512xi32>
    %eq3A = arith.cmpi eq, %iota3A, %select_n3A : vector<16x512xi32>
    %convert_element_type3A = arith.extui %eq3A : vector<16x512xi1> to vector<16x512xi32>
    %convert_element_type3A_117 = arith.sitofp %convert_element_type3A : vector<16x512xi32> to vector<16x512xf32>
    %iota3A_118 = tpu.iota {dimensions = array<i32: 0>} : vector<32x512xi32>
    %iota3A_119 = tpu.iota {dimensions = array<i32: 1>} : vector<32x512xi32>
    %jit3A_120 = arith.constant 32 : i32
    %eq3A_121 = arith.constant 0 : i32
    %eq3A_122 = arith.cmpi eq, %jit3A_120, %eq3A_121 : i32
    %jit3A_123 = arith.constant 1 : i32
    %select_n3A_124 = arith.select %eq3A_122, %jit3A_123, %jit3A_120 : i32
    %rem3A_125 = vector.broadcast %select_n3A_124 : i32 to vector<32x512xi32>
    %rem3A_126 = arith.remsi %iota3A_119, %rem3A_125 : vector<32x512xi32>
    %ne3A_127 = arith.constant 0 : i32
    %ne3A_128 = vector.broadcast %ne3A_127 : i32 to vector<32x512xi32>
    %ne3A_129 = arith.cmpi ne, %rem3A_126, %ne3A_128 : vector<32x512xi32>
    %lt3A = arith.constant 0 : i32
    %lt3A_130 = vector.broadcast %lt3A : i32 to vector<32x512xi32>
    %lt3A_131 = arith.cmpi slt, %rem3A_126, %lt3A_130 : vector<32x512xi32>
    %lt3A_132 = arith.constant 0 : i32
    %lt3A_133 = arith.cmpi slt, %select_n3A_124, %lt3A_132 : i32
    %ne3A_134 = vector.broadcast %lt3A_133 : i1 to vector<32x512xi1>
    %ne3A_135 = vector.broadcast %ne3A_134 : vector<32x512xi1> to vector<32x512xi1>
    %ne3A_136 = arith.xori %lt3A_131, %ne3A_135 : vector<32x512xi1>
    %and3A_137 = arith.andi %ne3A_136, %ne3A_129 : vector<32x512xi1>
    %add3A_138 = vector.broadcast %select_n3A_124 : i32 to vector<32x512xi32>
    %add3A_139 = arith.addi %rem3A_126, %add3A_138 : vector<32x512xi32>
    %select_n3A_140 = arith.select %and3A_137, %add3A_139, %rem3A_126 : vector<32x512xi1>, vector<32x512xi32>
    %eq3A_141 = arith.cmpi eq, %iota3A_118, %select_n3A_140 : vector<32x512xi32>
    %convert_element_type3A_142 = arith.extui %eq3A_141 : vector<32x512xi1> to vector<32x512xi32>
    %convert_element_type3A_143 = arith.sitofp %convert_element_type3A_142 : vector<32x512xi32> to vector<32x512xf32>
    %dot_general3A_144 = arith.constant dense<0.000000e+00> : vector<1152x512xf32>
    %dot_general3A_145 = tpu.matmul %add3A_55, %convert_element_type3A_117, %dot_general3A_144 {dimension_numbers = #tpu.dot_dimension_numbers<[0], [0], [1], [1], [0, 1, 1, 1], [], []>, transpose_lhs_hint = false} : vector<16x1152xf32>, vector<16x512xf32>, vector<1152x512xf32> -> vector<1152x512xf32>
    %get3A_146 = arith.constant 0 : index
    %get3A_147 = arith.constant 0 : index
    %get3A_148 = vector.load %arg12[%get3A_146, %get3A_147] : memref<1152x32xf32, #tpu.memory_space<vmem>>, vector<1152x32xf32>
    %dot_general3A_149 = arith.constant dense<0.000000e+00> : vector<1152x512xf32>
    %dot_general3A_150 = tpu.matmul %get3A_148, %convert_element_type3A_143, %dot_general3A_149 {dimension_numbers = #tpu.dot_dimension_numbers<[1], [0], [0], [1], [0, 0, 1, 1], [], []>, transpose_lhs_hint = false} : vector<1152x32xf32>, vector<32x512xf32>, vector<1152x512xf32> -> vector<1152x512xf32>
    %mul3A_151 = arith.mulf %dot_general3A_145, %dot_general3A_150 : vector<1152x512xf32>
    %convert_element_type3A_152 = arith.truncf %mul3A_151 : vector<1152x512xf32> to vector<1152x512xbf16>
    %convert_element_type3A_153 = arith.truncf %add3A_63 : vector<1024x1152xf32> to vector<1024x1152xbf16>
    %dot_general3A_154 = arith.constant dense<0.000000e+00> : vector<1024x512xf32>
    %dot_general3A_155 = tpu.matmul %convert_element_type3A_153, %convert_element_type3A_152, %dot_general3A_154 {dimension_numbers = #tpu.dot_dimension_numbers<[1], [0], [0], [1], [0, 0, 1, 1], [], []>, transpose_lhs_hint = false} : vector<1024x1152xbf16>, vector<1152x512xbf16>, vector<1024x512xf32> -> vector<1024x512xf32>
    %swap3A_156 = arith.constant 0 : index
    %swap3A_157 = arith.constant 0 : index
    %swap3A_158 = vector.load %arg21[%swap3A_156, %swap3A_157] : memref<1024x512xf32, #tpu.memory_space<vmem>>, vector<1024x512xf32>
    tpu.vector_store %arg21[%swap3A_156, %swap3A_157], %dot_general3A_155 {strides = array<i32>} : memref<1024x512xf32, #tpu.memory_space<vmem>>, vector<1024x512xf32>,
    %convert_element_type3A_159 = arith.truncf %get3A_78 : vector<16x1152xf32> to vector<16x1152xbf16>
    %dot_general3A_160 = arith.constant dense<0.000000e+00> : vector<16x512xf32>
    %dot_general3A_161 = tpu.matmul %convert_element_type3A_159, %convert_element_type3A_152, %dot_general3A_160 {dimension_numbers = #tpu.dot_dimension_numbers<[1], [0], [0], [1], [0, 0, 1, 1], [], []>, transpose_lhs_hint = false} : vector<16x1152xbf16>, vector<1152x512xbf16>, vector<16x512xf32> -> vector<16x512xf32>
    %iota3A_162 = tpu.iota {dimensions = array<i32: 0>} : vector<16x256xi32>
    %iota3A_163 = tpu.iota {dimensions = array<i32: 1>} : vector<16x256xi32>
    %jit3A_164 = arith.constant 4 : i32
    %eq3A_165 = arith.constant 0 : i32
    %eq3A_166 = arith.cmpi eq, %jit3A_164, %eq3A_165 : i32
    %jit3A_167 = arith.constant 1 : i32
    %select_n3A_168 = arith.select %eq3A_166, %jit3A_167, %jit3A_164 : i32
    %rem3A_169 = vector.broadcast %select_n3A_168 : i32 to vector<16x256xi32>
    %rem3A_170 = arith.remsi %iota3A_163, %rem3A_169 : vector<16x256xi32>
    %ne3A_171 = arith.constant 0 : i32
    %ne3A_172 = vector.broadcast %ne3A_171 : i32 to vector<16x256xi32>
    %ne3A_173 = arith.cmpi ne, %rem3A_170, %ne3A_172 : vector<16x256xi32>
    %lt3A_174 = arith.constant 0 : i32
    %lt3A_175 = vector.broadcast %lt3A_174 : i32 to vector<16x256xi32>
    %lt3A_176 = arith.cmpi slt, %rem3A_170, %lt3A_175 : vector<16x256xi32>
    %lt3A_177 = arith.constant 0 : i32
    %lt3A_178 = arith.cmpi slt, %select_n3A_168, %lt3A_177 : i32
    %ne3A_179 = vector.broadcast %lt3A_178 : i1 to vector<16x256xi1>
    %ne3A_180 = vector.broadcast %ne3A_179 : vector<16x256xi1> to vector<16x256xi1>
    %ne3A_181 = arith.xori %lt3A_176, %ne3A_180 : vector<16x256xi1>
    %and3A_182 = arith.andi %ne3A_181, %ne3A_173 : vector<16x256xi1>
    %add3A_183 = vector.broadcast %select_n3A_168 : i32 to vector<16x256xi32>
    %add3A_184 = arith.addi %rem3A_170, %add3A_183 : vector<16x256xi32>
    %select_n3A_185 = arith.select %and3A_182, %add3A_184, %rem3A_170 : vector<16x256xi1>, vector<16x256xi32>
    %mul3A_186 = arith.constant 4 : i32
    %mul3A_187 = vector.broadcast %mul3A_186 : i32 to vector<16x256xi32>
    %mul3A_188 = arith.muli %select_n3A_185, %mul3A_187 : vector<16x256xi32>
    %jit3A_189 = arith.constant 64 : i32
    %div3A_190 = vector.broadcast %jit3A_189 : i32 to vector<16x256xi32>
    %div3A_191 = arith.divsi %iota3A_163, %div3A_190 : vector<16x256xi32>
    %sign3A_192 = arith.constant 0 : i32
    %sign3A_193 = vector.broadcast %sign3A_192 : i32 to vector<16x256xi32>
    %sign3A_194 = arith.cmpi sgt, %iota3A_163, %sign3A_193 : vector<16x256xi32>
    %sign3A_195 = arith.extui %sign3A_194 : vector<16x256xi1> to vector<16x256xi32>
    %sign3A_196 = arith.constant 0 : i32
    %sign3A_197 = vector.broadcast %sign3A_196 : i32 to vector<16x256xi32>
    %sign3A_198 = arith.cmpi slt, %iota3A_163, %sign3A_197 : vector<16x256xi32>
    %sign3A_199 = arith.extui %sign3A_198 : vector<16x256xi1> to vector<16x256xi32>
    %sign3A_200 = arith.subi %sign3A_195, %sign3A_199 : vector<16x256xi32>
    %sign3A_201 = arith.constant 0 : i32
    %sign3A_202 = arith.cmpi sgt, %jit3A_189, %sign3A_201 : i32
    %sign3A_203 = arith.extui %sign3A_202 : i1 to i32
    %sign3A_204 = arith.constant 0 : i32
    %sign3A_205 = arith.cmpi slt, %jit3A_189, %sign3A_204 : i32
    %sign3A_206 = arith.extui %sign3A_205 : i1 to i32
    %sign3A_207 = arith.subi %sign3A_203, %sign3A_206 : i32
    %ne3A_208 = vector.broadcast %sign3A_207 : i32 to vector<16x256xi32>
    %ne3A_209 = arith.cmpi ne, %sign3A_200, %ne3A_208 : vector<16x256xi32>
    %rem3A_210 = vector.broadcast %jit3A_189 : i32 to vector<16x256xi32>
    %rem3A_211 = arith.remsi %iota3A_163, %rem3A_210 : vector<16x256xi32>
    %ne3A_212 = arith.constant 0 : i32
    %ne3A_213 = vector.broadcast %ne3A_212 : i32 to vector<16x256xi32>
    %ne3A_214 = arith.cmpi ne, %rem3A_211, %ne3A_213 : vector<16x256xi32>
    %and3A_215 = arith.andi %ne3A_209, %ne3A_214 : vector<16x256xi1>
    %sub3A_216 = arith.constant 1 : i32
    %sub3A_217 = vector.broadcast %sub3A_216 : i32 to vector<16x256xi32>
    %sub3A_218 = arith.subi %div3A_191, %sub3A_217 : vector<16x256xi32>
    %select_n3A_219 = arith.select %and3A_215, %sub3A_218, %div3A_191 : vector<16x256xi1>, vector<16x256xi32>
    %jit3A_220 = arith.constant 2 : i32
    %eq3A_221 = arith.constant 0 : i32
    %eq3A_222 = arith.cmpi eq, %jit3A_220, %eq3A_221 : i32
    %jit3A_223 = arith.constant 1 : i32
    %select_n3A_224 = arith.select %eq3A_222, %jit3A_223, %jit3A_220 : i32
    %rem3A_225 = vector.broadcast %select_n3A_224 : i32 to vector<16x256xi32>
    %rem3A_226 = arith.remsi %select_n3A_219, %rem3A_225 : vector<16x256xi32>
    %ne3A_227 = arith.constant 0 : i32
    %ne3A_228 = vector.broadcast %ne3A_227 : i32 to vector<16x256xi32>
    %ne3A_229 = arith.cmpi ne, %rem3A_226, %ne3A_228 : vector<16x256xi32>
    %lt3A_230 = arith.constant 0 : i32
    %lt3A_231 = vector.broadcast %lt3A_230 : i32 to vector<16x256xi32>
    %lt3A_232 = arith.cmpi slt, %rem3A_226, %lt3A_231 : vector<16x256xi32>
    %lt3A_233 = arith.constant 0 : i32
    %lt3A_234 = arith.cmpi slt, %select_n3A_224, %lt3A_233 : i32
    %ne3A_235 = vector.broadcast %lt3A_234 : i1 to vector<16x256xi1>
    %ne3A_236 = vector.broadcast %ne3A_235 : vector<16x256xi1> to vector<16x256xi1>
    %ne3A_237 = arith.xori %lt3A_232, %ne3A_236 : vector<16x256xi1>
    %and3A_238 = arith.andi %ne3A_237, %ne3A_229 : vector<16x256xi1>
    %add3A_239 = vector.broadcast %select_n3A_224 : i32 to vector<16x256xi32>
    %add3A_240 = arith.addi %rem3A_226, %add3A_239 : vector<16x256xi32>
    %select_n3A_241 = arith.select %and3A_238, %add3A_240, %rem3A_226 : vector<16x256xi1>, vector<16x256xi32>
    %mul3A_242 = arith.constant 2 : i32
    %mul3A_243 = vector.broadcast %mul3A_242 : i32 to vector<16x256xi32>
    %mul3A_244 = arith.muli %select_n3A_241, %mul3A_243 : vector<16x256xi32>
    %add3A_245 = arith.addi %mul3A_188, %mul3A_244 : vector<16x256xi32>
    %jit3A_246 = arith.constant 128 : i32
    %div3A_247 = vector.broadcast %jit3A_246 : i32 to vector<16x256xi32>
    %div3A_248 = arith.divsi %iota3A_163, %div3A_247 : vector<16x256xi32>
    %sign3A_249 = arith.constant 0 : i32
    %sign3A_250 = vector.broadcast %sign3A_249 : i32 to vector<16x256xi32>
    %sign3A_251 = arith.cmpi sgt, %iota3A_163, %sign3A_250 : vector<16x256xi32>
    %sign3A_252 = arith.extui %sign3A_251 : vector<16x256xi1> to vector<16x256xi32>
    %sign3A_253 = arith.constant 0 : i32
    %sign3A_254 = vector.broadcast %sign3A_253 : i32 to vector<16x256xi32>
    %sign3A_255 = arith.cmpi slt, %iota3A_163, %sign3A_254 : vector<16x256xi32>
    %sign3A_256 = arith.extui %sign3A_255 : vector<16x256xi1> to vector<16x256xi32>
    %sign3A_257 = arith.subi %sign3A_252, %sign3A_256 : vector<16x256xi32>
    %sign3A_258 = arith.constant 0 : i32
    %sign3A_259 = arith.cmpi sgt, %jit3A_246, %sign3A_258 : i32
    %sign3A_260 = arith.extui %sign3A_259 : i1 to i32
    %sign3A_261 = arith.constant 0 : i32
    %sign3A_262 = arith.cmpi slt, %jit3A_246, %sign3A_261 : i32
    %sign3A_263 = arith.extui %sign3A_262 : i1 to i32
    %sign3A_264 = arith.subi %sign3A_260, %sign3A_263 : i32
    %ne3A_265 = vector.broadcast %sign3A_264 : i32 to vector<16x256xi32>
    %ne3A_266 = arith.cmpi ne, %sign3A_257, %ne3A_265 : vector<16x256xi32>
    %rem3A_267 = vector.broadcast %jit3A_246 : i32 to vector<16x256xi32>
    %rem3A_268 = arith.remsi %iota3A_163, %rem3A_267 : vector<16x256xi32>
    %ne3A_269 = arith.constant 0 : i32
    %ne3A_270 = vector.broadcast %ne3A_269 : i32 to vector<16x256xi32>
    %ne3A_271 = arith.cmpi ne, %rem3A_268, %ne3A_270 : vector<16x256xi32>
    %and3A_272 = arith.andi %ne3A_266, %ne3A_271 : vector<16x256xi1>
    %sub3A_273 = arith.constant 1 : i32
    %sub3A_274 = vector.broadcast %sub3A_273 : i32 to vector<16x256xi32>
    %sub3A_275 = arith.subi %div3A_248, %sub3A_274 : vector<16x256xi32>
    %select_n3A_276 = arith.select %and3A_272, %sub3A_275, %div3A_248 : vector<16x256xi1>, vector<16x256xi32>
    %add3A_277 = arith.addi %add3A_245, %select_n3A_276 : vector<16x256xi32>
    %eq3A_278 = arith.cmpi eq, %iota3A_162, %add3A_277 : vector<16x256xi32>
    %convert_element_type3A_279 = arith.extui %eq3A_278 : vector<16x256xi1> to vector<16x256xi32>
    %convert_element_type3A_280 = arith.sitofp %convert_element_type3A_279 : vector<16x256xi32> to vector<16x256xf32>
    %dot_general3A_281 = arith.constant dense<0.000000e+00> : vector<256x16xf32>
    %dot_general3A_282 = tpu.matmul %convert_element_type3A_280, %dot_general3A_85, %dot_general3A_281 {dimension_numbers = #tpu.dot_dimension_numbers<[0], [0], [1], [1], [0, 1, 1, 1], [], []>, transpose_lhs_hint = false} : vector<16x256xf32>, vector<16x16xf32>, vector<256x16xf32> -> vector<256x16xf32>
    %iota3A_283 = tpu.iota {dimensions = array<i32: 0>} : vector<256x256xi32>
    %iota3A_284 = tpu.iota {dimensions = array<i32: 1>} : vector<256x256xi32>
    %jit3A_285 = arith.constant 4 : i32
    %div3A_286 = vector.broadcast %jit3A_285 : i32 to vector<256x256xi32>
    %div3A_287 = arith.divsi %iota3A_283, %div3A_286 : vector<256x256xi32>
    %sign3A_288 = arith.constant 0 : i32
    %sign3A_289 = vector.broadcast %sign3A_288 : i32 to vector<256x256xi32>
    %sign3A_290 = arith.cmpi sgt, %iota3A_283, %sign3A_289 : vector<256x256xi32>
    %sign3A_291 = arith.extui %sign3A_290 : vector<256x256xi1> to vector<256x256xi32>
    %sign3A_292 = arith.constant 0 : i32
    %sign3A_293 = vector.broadcast %sign3A_292 : i32 to vector<256x256xi32>
    %sign3A_294 = arith.cmpi slt, %iota3A_283, %sign3A_293 : vector<256x256xi32>
    %sign3A_295 = arith.extui %sign3A_294 : vector<256x256xi1> to vector<256x256xi32>
    %sign3A_296 = arith.subi %sign3A_291, %sign3A_295 : vector<256x256xi32>
    %sign3A_297 = arith.constant 0 : i32
    %sign3A_298 = arith.cmpi sgt, %jit3A_285, %sign3A_297 : i32
    %sign3A_299 = arith.extui %sign3A_298 : i1 to i32
    %sign3A_300 = arith.constant 0 : i32
    %sign3A_301 = arith.cmpi slt, %jit3A_285, %sign3A_300 : i32
    %sign3A_302 = arith.extui %sign3A_301 : i1 to i32
    %sign3A_303 = arith.subi %sign3A_299, %sign3A_302 : i32
    %ne3A_304 = vector.broadcast %sign3A_303 : i32 to vector<256x256xi32>
    %ne3A_305 = arith.cmpi ne, %sign3A_296, %ne3A_304 : vector<256x256xi32>
    %rem3A_306 = vector.broadcast %jit3A_285 : i32 to vector<256x256xi32>
    %rem3A_307 = arith.remsi %iota3A_283, %rem3A_306 : vector<256x256xi32>
    %ne3A_308 = arith.constant 0 : i32
    %ne3A_309 = vector.broadcast %ne3A_308 : i32 to vector<256x256xi32>
    %ne3A_310 = arith.cmpi ne, %rem3A_307, %ne3A_309 : vector<256x256xi32>
    %and3A_311 = arith.andi %ne3A_305, %ne3A_310 : vector<256x256xi1>
    %sub3A_312 = arith.constant 1 : i32
    %sub3A_313 = vector.broadcast %sub3A_312 : i32 to vector<256x256xi32>
    %sub3A_314 = arith.subi %div3A_287, %sub3A_313 : vector<256x256xi32>
    %select_n3A_315 = arith.select %and3A_311, %sub3A_314, %div3A_287 : vector<256x256xi1>, vector<256x256xi32>
    %jit3A_316 = arith.constant 16 : i32
    %eq3A_317 = arith.constant 0 : i32
    %eq3A_318 = arith.cmpi eq, %jit3A_316, %eq3A_317 : i32
    %jit3A_319 = arith.constant 1 : i32
    %select_n3A_320 = arith.select %eq3A_318, %jit3A_319, %jit3A_316 : i32
    %rem3A_321 = vector.broadcast %select_n3A_320 : i32 to vector<256x256xi32>
    %rem3A_322 = arith.remsi %select_n3A_315, %rem3A_321 : vector<256x256xi32>
    %ne3A_323 = arith.constant 0 : i32
    %ne3A_324 = vector.broadcast %ne3A_323 : i32 to vector<256x256xi32>
    %ne3A_325 = arith.cmpi ne, %rem3A_322, %ne3A_324 : vector<256x256xi32>
    %lt3A_326 = arith.constant 0 : i32
    %lt3A_327 = vector.broadcast %lt3A_326 : i32 to vector<256x256xi32>
    %lt3A_328 = arith.cmpi slt, %rem3A_322, %lt3A_327 : vector<256x256xi32>
    %lt3A_329 = arith.constant 0 : i32
    %lt3A_330 = arith.cmpi slt, %select_n3A_320, %lt3A_329 : i32
    %ne3A_331 = vector.broadcast %lt3A_330 : i1 to vector<256x256xi1>
    %ne3A_332 = vector.broadcast %ne3A_331 : vector<256x256xi1> to vector<256x256xi1>
    %ne3A_333 = arith.xori %lt3A_328, %ne3A_332 : vector<256x256xi1>
    %and3A_334 = arith.andi %ne3A_333, %ne3A_325 : vector<256x256xi1>
    %add3A_335 = vector.broadcast %select_n3A_320 : i32 to vector<256x256xi32>
    %add3A_336 = arith.addi %rem3A_322, %add3A_335 : vector<256x256xi32>
    %select_n3A_337 = arith.select %and3A_334, %add3A_336, %rem3A_322 : vector<256x256xi1>, vector<256x256xi32>
    %jit3A_338 = arith.constant 4 : i32
    %div3A_339 = vector.broadcast %jit3A_338 : i32 to vector<256x256xi32>
    %div3A_340 = arith.divsi %iota3A_284, %div3A_339 : vector<256x256xi32>
    %sign3A_341 = arith.constant 0 : i32
    %sign3A_342 = vector.broadcast %sign3A_341 : i32 to vector<256x256xi32>
    %sign3A_343 = arith.cmpi sgt, %iota3A_284, %sign3A_342 : vector<256x256xi32>
    %sign3A_344 = arith.extui %sign3A_343 : vector<256x256xi1> to vector<256x256xi32>
    %sign3A_345 = arith.constant 0 : i32
    %sign3A_346 = vector.broadcast %sign3A_345 : i32 to vector<256x256xi32>
    %sign3A_347 = arith.cmpi slt, %iota3A_284, %sign3A_346 : vector<256x256xi32>
    %sign3A_348 = arith.extui %sign3A_347 : vector<256x256xi1> to vector<256x256xi32>
    %sign3A_349 = arith.subi %sign3A_344, %sign3A_348 : vector<256x256xi32>
    %sign3A_350 = arith.constant 0 : i32
    %sign3A_351 = arith.cmpi sgt, %jit3A_338, %sign3A_350 : i32
    %sign3A_352 = arith.extui %sign3A_351 : i1 to i32
    %sign3A_353 = arith.constant 0 : i32
    %sign3A_354 = arith.cmpi slt, %jit3A_338, %sign3A_353 : i32
    %sign3A_355 = arith.extui %sign3A_354 : i1 to i32
    %sign3A_356 = arith.subi %sign3A_352, %sign3A_355 : i32
    %ne3A_357 = vector.broadcast %sign3A_356 : i32 to vector<256x256xi32>
    %ne3A_358 = arith.cmpi ne, %sign3A_349, %ne3A_357 : vector<256x256xi32>
    %rem3A_359 = vector.broadcast %jit3A_338 : i32 to vector<256x256xi32>
    %rem3A_360 = arith.remsi %iota3A_284, %rem3A_359 : vector<256x256xi32>
    %ne3A_361 = arith.constant 0 : i32
    %ne3A_362 = vector.broadcast %ne3A_361 : i32 to vector<256x256xi32>
    %ne3A_363 = arith.cmpi ne, %rem3A_360, %ne3A_362 : vector<256x256xi32>
    %and3A_364 = arith.andi %ne3A_358, %ne3A_363 : vector<256x256xi1>
    %sub3A_365 = arith.constant 1 : i32
    %sub3A_366 = vector.broadcast %sub3A_365 : i32 to vector<256x256xi32>
    %sub3A_367 = arith.subi %div3A_340, %sub3A_366 : vector<256x256xi32>
    %select_n3A_368 = arith.select %and3A_364, %sub3A_367, %div3A_340 : vector<256x256xi1>, vector<256x256xi32>
    %jit3A_369 = arith.constant 16 : i32
    %eq3A_370 = arith.constant 0 : i32
    %eq3A_371 = arith.cmpi eq, %jit3A_369, %eq3A_370 : i32
    %jit3A_372 = arith.constant 1 : i32
    %select_n3A_373 = arith.select %eq3A_371, %jit3A_372, %jit3A_369 : i32
    %rem3A_374 = vector.broadcast %select_n3A_373 : i32 to vector<256x256xi32>
    %rem3A_375 = arith.remsi %select_n3A_368, %rem3A_374 : vector<256x256xi32>
    %ne3A_376 = arith.constant 0 : i32
    %ne3A_377 = vector.broadcast %ne3A_376 : i32 to vector<256x256xi32>
    %ne3A_378 = arith.cmpi ne, %rem3A_375, %ne3A_377 : vector<256x256xi32>
    %lt3A_379 = arith.constant 0 : i32
    %lt3A_380 = vector.broadcast %lt3A_379 : i32 to vector<256x256xi32>
    %lt3A_381 = arith.cmpi slt, %rem3A_375, %lt3A_380 : vector<256x256xi32>
    %lt3A_382 = arith.constant 0 : i32
    %lt3A_383 = arith.cmpi slt, %select_n3A_373, %lt3A_382 : i32
    %ne3A_384 = vector.broadcast %lt3A_383 : i1 to vector<256x256xi1>
    %ne3A_385 = vector.broadcast %ne3A_384 : vector<256x256xi1> to vector<256x256xi1>
    %ne3A_386 = arith.xori %lt3A_381, %ne3A_385 : vector<256x256xi1>
    %and3A_387 = arith.andi %ne3A_386, %ne3A_378 : vector<256x256xi1>
    %add3A_388 = vector.broadcast %select_n3A_373 : i32 to vector<256x256xi32>
    %add3A_389 = arith.addi %rem3A_375, %add3A_388 : vector<256x256xi32>
    %select_n3A_390 = arith.select %and3A_387, %add3A_389, %rem3A_375 : vector<256x256xi1>, vector<256x256xi32>
    %eq3A_391 = arith.cmpi eq, %select_n3A_337, %select_n3A_390 : vector<256x256xi32>
    %convert_element_type3A_392 = arith.extui %eq3A_391 : vector<256x256xi1> to vector<256x256xi32>
    %convert_element_type3A_393 = arith.sitofp %convert_element_type3A_392 : vector<256x256xi32> to vector<256x256xf32>
    %dot_general3A_394 = arith.constant dense<0.000000e+00> : vector<256x256xf32>
    %dot_general3A_395 = tpu.matmul %dot_general3A_282, %convert_element_type3A_280, %dot_general3A_394 {dimension_numbers = #tpu.dot_dimension_numbers<[1], [0], [0], [1], [0, 0, 1, 1], [], []>, transpose_lhs_hint = false} : vector<256x16xf32>, vector<16x256xf32>, vector<256x256xf32> -> vector<256x256xf32>
    %mul3A_396 = arith.mulf %dot_general3A_395, %convert_element_type3A_393 : vector<256x256xf32>
    %swap3A_397 = arith.constant 0 : index
    %swap3A_398 = arith.constant 0 : index
    %swap3A_399 = vector.load %arg17[%swap3A_397, %swap3A_398] : memref<256x256xf32, #tpu.memory_space<vmem>>, vector<256x256xf32>
    tpu.vector_store %arg17[%swap3A_397, %swap3A_398], %mul3A_396 {strides = array<i32>} : memref<256x256xf32, #tpu.memory_space<vmem>>, vector<256x256xf32>,
    %iota3A_400 = tpu.iota {dimensions = array<i32: 0>} : vector<256x16xi32>
    %iota3A_401 = tpu.iota {dimensions = array<i32: 1>} : vector<256x16xi32>
    %jit3A_402 = arith.constant 4 : i32
    %div3A_403 = vector.broadcast %jit3A_402 : i32 to vector<256x16xi32>
    %div3A_404 = arith.divsi %iota3A_400, %div3A_403 : vector<256x16xi32>
    %sign3A_405 = arith.constant 0 : i32
    %sign3A_406 = vector.broadcast %sign3A_405 : i32 to vector<256x16xi32>
    %sign3A_407 = arith.cmpi sgt, %iota3A_400, %sign3A_406 : vector<256x16xi32>
    %sign3A_408 = arith.extui %sign3A_407 : vector<256x16xi1> to vector<256x16xi32>
    %sign3A_409 = arith.constant 0 : i32
    %sign3A_410 = vector.broadcast %sign3A_409 : i32 to vector<256x16xi32>
    %sign3A_411 = arith.cmpi slt, %iota3A_400, %sign3A_410 : vector<256x16xi32>
    %sign3A_412 = arith.extui %sign3A_411 : vector<256x16xi1> to vector<256x16xi32>
    %sign3A_413 = arith.subi %sign3A_408, %sign3A_412 : vector<256x16xi32>
    %sign3A_414 = arith.constant 0 : i32
    %sign3A_415 = arith.cmpi sgt, %jit3A_402, %sign3A_414 : i32
    %sign3A_416 = arith.extui %sign3A_415 : i1 to i32
    %sign3A_417 = arith.constant 0 : i32
    %sign3A_418 = arith.cmpi slt, %jit3A_402, %sign3A_417 : i32
    %sign3A_419 = arith.extui %sign3A_418 : i1 to i32
    %sign3A_420 = arith.subi %sign3A_416, %sign3A_419 : i32
    %ne3A_421 = vector.broadcast %sign3A_420 : i32 to vector<256x16xi32>
    %ne3A_422 = arith.cmpi ne, %sign3A_413, %ne3A_421 : vector<256x16xi32>
    %rem3A_423 = vector.broadcast %jit3A_402 : i32 to vector<256x16xi32>
    %rem3A_424 = arith.remsi %iota3A_400, %rem3A_423 : vector<256x16xi32>
    %ne3A_425 = arith.constant 0 : i32
    %ne3A_426 = vector.broadcast %ne3A_425 : i32 to vector<256x16xi32>
    %ne3A_427 = arith.cmpi ne, %rem3A_424, %ne3A_426 : vector<256x16xi32>
    %and3A_428 = arith.andi %ne3A_422, %ne3A_427 : vector<256x16xi1>
    %sub3A_429 = arith.constant 1 : i32
    %sub3A_430 = vector.broadcast %sub3A_429 : i32 to vector<256x16xi32>
    %sub3A_431 = arith.subi %div3A_404, %sub3A_430 : vector<256x16xi32>
    %select_n3A_432 = arith.select %and3A_428, %sub3A_431, %div3A_404 : vector<256x16xi1>, vector<256x16xi32>
    %jit3A_433 = arith.constant 16 : i32
    %eq3A_434 = arith.constant 0 : i32
    %eq3A_435 = arith.cmpi eq, %jit3A_433, %eq3A_434 : i32
    %jit3A_436 = arith.constant 1 : i32
    %select_n3A_437 = arith.select %eq3A_435, %jit3A_436, %jit3A_433 : i32
    %rem3A_438 = vector.broadcast %select_n3A_437 : i32 to vector<256x16xi32>
    %rem3A_439 = arith.remsi %select_n3A_432, %rem3A_438 : vector<256x16xi32>
    %ne3A_440 = arith.constant 0 : i32
    %ne3A_441 = vector.broadcast %ne3A_440 : i32 to vector<256x16xi32>
    %ne3A_442 = arith.cmpi ne, %rem3A_439, %ne3A_441 : vector<256x16xi32>
    %lt3A_443 = arith.constant 0 : i32
    %lt3A_444 = vector.broadcast %lt3A_443 : i32 to vector<256x16xi32>
    %lt3A_445 = arith.cmpi slt, %rem3A_439, %lt3A_444 : vector<256x16xi32>
    %lt3A_446 = arith.constant 0 : i32
    %lt3A_447 = arith.cmpi slt, %select_n3A_437, %lt3A_446 : i32
    %ne3A_448 = vector.broadcast %lt3A_447 : i1 to vector<256x16xi1>
    %ne3A_449 = vector.broadcast %ne3A_448 : vector<256x16xi1> to vector<256x16xi1>
    %ne3A_450 = arith.xori %lt3A_445, %ne3A_449 : vector<256x16xi1>
    %and3A_451 = arith.andi %ne3A_450, %ne3A_442 : vector<256x16xi1>
    %add3A_452 = vector.broadcast %select_n3A_437 : i32 to vector<256x16xi32>
    %add3A_453 = arith.addi %rem3A_439, %add3A_452 : vector<256x16xi32>
    %select_n3A_454 = arith.select %and3A_451, %add3A_453, %rem3A_439 : vector<256x16xi1>, vector<256x16xi32>
    %eq3A_455 = arith.cmpi eq, %select_n3A_454, %iota3A_401 : vector<256x16xi32>
    %convert_element_type3A_456 = arith.extui %eq3A_455 : vector<256x16xi1> to vector<256x16xi32>
    %convert_element_type3A_457 = arith.sitofp %convert_element_type3A_456 : vector<256x16xi32> to vector<256x16xf32>
    %swap3A_458 = arith.constant 0 : index
    %swap3A_459 = arith.constant 0 : index
    %swap3A_460 = vector.load %arg18[%swap3A_458, %swap3A_459] : memref<256x16xf32, #tpu.memory_space<vmem>>, vector<256x16xf32>
    tpu.vector_store %arg18[%swap3A_458, %swap3A_459], %convert_element_type3A_457 {strides = array<i32>} : memref<256x16xf32, #tpu.memory_space<vmem>>, vector<256x16xf32>,
    %dot_general3A_461 = arith.constant dense<0.000000e+00> : vector<256x1xf32>
    %dot_general3A_462 = tpu.matmul %convert_element_type3A_280, %div3A_91, %dot_general3A_461 {dimension_numbers = #tpu.dot_dimension_numbers<[0], [0], [1], [1], [0, 1, 1, 1], [], []>, transpose_lhs_hint = false} : vector<16x256xf32>, vector<16x1xf32>, vector<256x1xf32> -> vector<256x1xf32>
    %mul3A_463 = vector.broadcast %dot_general3A_462 : vector<256x1xf32> to vector<256x16xf32>
    %mul3A_464 = arith.mulf %convert_element_type3A_457, %mul3A_463 : vector<256x16xf32>
    %swap3A_465 = arith.constant 0 : index
    %swap3A_466 = arith.constant 0 : index
    %swap3A_467 = vector.load %arg19[%swap3A_465, %swap3A_466] : memref<256x16xf32, #tpu.memory_space<vmem>>, vector<256x16xf32>
    tpu.vector_store %arg19[%swap3A_465, %swap3A_466], %mul3A_464 {strides = array<i32>} : memref<256x16xf32, #tpu.memory_space<vmem>>, vector<256x16xf32>,
    %iota3A_468 = tpu.iota {dimensions = array<i32: 0>} : vector<256x512xi32>
    %iota3A_469 = tpu.iota {dimensions = array<i32: 1>} : vector<256x512xi32>
    %dot_general3A_470 = arith.constant dense<0.000000e+00> : vector<256x512xf32>
    %dot_general3A_471 = tpu.matmul %convert_element_type3A_280, %dot_general3A_161, %dot_general3A_470 {dimension_numbers = #tpu.dot_dimension_numbers<[0], [0], [1], [1], [0, 1, 1, 1], [], []>, transpose_lhs_hint = false} : vector<16x256xf32>, vector<16x512xf32>, vector<256x512xf32> -> vector<256x512xf32>
    %jit3A_472 = arith.constant 4 : i32
    %div3A_473 = vector.broadcast %jit3A_472 : i32 to vector<256x512xi32>
    %div3A_474 = arith.divsi %iota3A_468, %div3A_473 : vector<256x512xi32>
    %sign3A_475 = arith.constant 0 : i32
    %sign3A_476 = vector.broadcast %sign3A_475 : i32 to vector<256x512xi32>
    %sign3A_477 = arith.cmpi sgt, %iota3A_468, %sign3A_476 : vector<256x512xi32>
    %sign3A_478 = arith.extui %sign3A_477 : vector<256x512xi1> to vector<256x512xi32>
    %sign3A_479 = arith.constant 0 : i32
    %sign3A_480 = vector.broadcast %sign3A_479 : i32 to vector<256x512xi32>
    %sign3A_481 = arith.cmpi slt, %iota3A_468, %sign3A_480 : vector<256x512xi32>
    %sign3A_482 = arith.extui %sign3A_481 : vector<256x512xi1> to vector<256x512xi32>
    %sign3A_483 = arith.subi %sign3A_478, %sign3A_482 : vector<256x512xi32>
    %sign3A_484 = arith.constant 0 : i32
    %sign3A_485 = arith.cmpi sgt, %jit3A_472, %sign3A_484 : i32
    %sign3A_486 = arith.extui %sign3A_485 : i1 to i32
    %sign3A_487 = arith.constant 0 : i32
    %sign3A_488 = arith.cmpi slt, %jit3A_472, %sign3A_487 : i32
    %sign3A_489 = arith.extui %sign3A_488 : i1 to i32
    %sign3A_490 = arith.subi %sign3A_486, %sign3A_489 : i32
    %ne3A_491 = vector.broadcast %sign3A_490 : i32 to vector<256x512xi32>
    %ne3A_492 = arith.cmpi ne, %sign3A_483, %ne3A_491 : vector<256x512xi32>
    %rem3A_493 = vector.broadcast %jit3A_472 : i32 to vector<256x512xi32>
    %rem3A_494 = arith.remsi %iota3A_468, %rem3A_493 : vector<256x512xi32>
    %ne3A_495 = arith.constant 0 : i32
    %ne3A_496 = vector.broadcast %ne3A_495 : i32 to vector<256x512xi32>
    %ne3A_497 = arith.cmpi ne, %rem3A_494, %ne3A_496 : vector<256x512xi32>
    %and3A_498 = arith.andi %ne3A_492, %ne3A_497 : vector<256x512xi1>
    %sub3A_499 = arith.constant 1 : i32
    %sub3A_500 = vector.broadcast %sub3A_499 : i32 to vector<256x512xi32>
    %sub3A_501 = arith.subi %div3A_474, %sub3A_500 : vector<256x512xi32>
    %select_n3A_502 = arith.select %and3A_498, %sub3A_501, %div3A_474 : vector<256x512xi1>, vector<256x512xi32>
    %jit3A_503 = arith.constant 16 : i32
    %eq3A_504 = arith.constant 0 : i32
    %eq3A_505 = arith.cmpi eq, %jit3A_503, %eq3A_504 : i32
    %jit3A_506 = arith.constant 1 : i32
    %select_n3A_507 = arith.select %eq3A_505, %jit3A_506, %jit3A_503 : i32
    %rem3A_508 = vector.broadcast %select_n3A_507 : i32 to vector<256x512xi32>
    %rem3A_509 = arith.remsi %select_n3A_502, %rem3A_508 : vector<256x512xi32>
    %ne3A_510 = arith.constant 0 : i32
    %ne3A_511 = vector.broadcast %ne3A_510 : i32 to vector<256x512xi32>
    %ne3A_512 = arith.cmpi ne, %rem3A_509, %ne3A_511 : vector<256x512xi32>
    %lt3A_513 = arith.constant 0 : i32
    %lt3A_514 = vector.broadcast %lt3A_513 : i32 to vector<256x512xi32>
    %lt3A_515 = arith.cmpi slt, %rem3A_509, %lt3A_514 : vector<256x512xi32>
    %lt3A_516 = arith.constant 0 : i32
    %lt3A_517 = arith.cmpi slt, %select_n3A_507, %lt3A_516 : i32
    %ne3A_518 = vector.broadcast %lt3A_517 : i1 to vector<256x512xi1>
    %ne3A_519 = vector.broadcast %ne3A_518 : vector<256x512xi1> to vector<256x512xi1>
    %ne3A_520 = arith.xori %lt3A_515, %ne3A_519 : vector<256x512xi1>
    %and3A_521 = arith.andi %ne3A_520, %ne3A_512 : vector<256x512xi1>
    %add3A_522 = vector.broadcast %select_n3A_507 : i32 to vector<256x512xi32>
    %add3A_523 = arith.addi %rem3A_509, %add3A_522 : vector<256x512xi32>
    %select_n3A_524 = arith.select %and3A_521, %add3A_523, %rem3A_509 : vector<256x512xi1>, vector<256x512xi32>
    %jit3A_525 = arith.constant 32 : i32
    %div3A_526 = vector.broadcast %jit3A_525 : i32 to vector<256x512xi32>
    %div3A_527 = arith.divsi %iota3A_469, %div3A_526 : vector<256x512xi32>
    %sign3A_528 = arith.constant 0 : i32
    %sign3A_529 = vector.broadcast %sign3A_528 : i32 to vector<256x512xi32>
    %sign3A_530 = arith.cmpi sgt, %iota3A_469, %sign3A_529 : vector<256x512xi32>
    %sign3A_531 = arith.extui %sign3A_530 : vector<256x512xi1> to vector<256x512xi32>
    %sign3A_532 = arith.constant 0 : i32
    %sign3A_533 = vector.broadcast %sign3A_532 : i32 to vector<256x512xi32>
    %sign3A_534 = arith.cmpi slt, %iota3A_469, %sign3A_533 : vector<256x512xi32>
    %sign3A_535 = arith.extui %sign3A_534 : vector<256x512xi1> to vector<256x512xi32>
    %sign3A_536 = arith.subi %sign3A_531, %sign3A_535 : vector<256x512xi32>
    %sign3A_537 = arith.constant 0 : i32
    %sign3A_538 = arith.cmpi sgt, %jit3A_525, %sign3A_537 : i32
    %sign3A_539 = arith.extui %sign3A_538 : i1 to i32
    %sign3A_540 = arith.constant 0 : i32
    %sign3A_541 = arith.cmpi slt, %jit3A_525, %sign3A_540 : i32
    %sign3A_542 = arith.extui %sign3A_541 : i1 to i32
    %sign3A_543 = arith.subi %sign3A_539, %sign3A_542 : i32
    %ne3A_544 = vector.broadcast %sign3A_543 : i32 to vector<256x512xi32>
    %ne3A_545 = arith.cmpi ne, %sign3A_536, %ne3A_544 : vector<256x512xi32>
    %rem3A_546 = vector.broadcast %jit3A_525 : i32 to vector<256x512xi32>
    %rem3A_547 = arith.remsi %iota3A_469, %rem3A_546 : vector<256x512xi32>
    %ne3A_548 = arith.constant 0 : i32
    %ne3A_549 = vector.broadcast %ne3A_548 : i32 to vector<256x512xi32>
    %ne3A_550 = arith.cmpi ne, %rem3A_547, %ne3A_549 : vector<256x512xi32>
    %and3A_551 = arith.andi %ne3A_545, %ne3A_550 : vector<256x512xi1>
    %sub3A_552 = arith.constant 1 : i32
    %sub3A_553 = vector.broadcast %sub3A_552 : i32 to vector<256x512xi32>
    %sub3A_554 = arith.subi %div3A_527, %sub3A_553 : vector<256x512xi32>
    %select_n3A_555 = arith.select %and3A_551, %sub3A_554, %div3A_527 : vector<256x512xi1>, vector<256x512xi32>
    %eq3A_556 = arith.cmpi eq, %select_n3A_524, %select_n3A_555 : vector<256x512xi32>
    %convert_element_type3A_557 = arith.extui %eq3A_556 : vector<256x512xi1> to vector<256x512xi32>
    %convert_element_type3A_558 = arith.sitofp %convert_element_type3A_557 : vector<256x512xi32> to vector<256x512xf32>
    %mul3A_559 = arith.mulf %dot_general3A_471, %convert_element_type3A_558 : vector<256x512xf32>
    %convert_element_type3A_560 = arith.truncf %mul3A_559 : vector<256x512xf32> to vector<256x512xbf16>
    %swap3A_561 = arith.constant 0 : index
    %swap3A_562 = arith.constant 0 : index
    %swap3A_563 = vector.load %arg20[%swap3A_561, %swap3A_562] : memref<256x512xbf16, #tpu.memory_space<vmem>>, vector<256x512xbf16>
    tpu.vector_store %arg20[%swap3A_561, %swap3A_562], %convert_element_type3A_560 {strides = array<i32>} : memref<256x512xbf16, #tpu.memory_space<vmem>>, vector<256x512xbf16>,
    %get3A_564 = arith.constant 0 : index
    %get3A_565 = arith.constant 0 : index
    %get3A_566 = vector.load %arg12[%get3A_564, %get3A_565] : memref<1152x32xf32, #tpu.memory_space<vmem>>, vector<1152x32xf32>
    %dot_general3A_567 = arith.constant dense<0.000000e+00> : vector<16x32xf32>
    %dot_general3A_568 = tpu.matmul %add3A_55, %get3A_566, %dot_general3A_567 {dimension_numbers = #tpu.dot_dimension_numbers<[1], [0], [0], [1], [0, 0, 1, 1], [], []>, transpose_lhs_hint = false} : vector<16x1152xf32>, vector<1152x32xf32>, vector<16x32xf32> -> vector<16x32xf32>
    %get3A_569 = arith.constant 0 : index
    %get3A_570 = arith.constant 0 : index
    %get3A_571 = vector.load %arg12[%get3A_569, %get3A_570] : memref<1152x32xf32, #tpu.memory_space<vmem>>, vector<1152x32xf32>
    %dot_general3A_572 = arith.constant dense<0.000000e+00> : vector<16x32xf32>
    %dot_general3A_573 = tpu.matmul %slice3A, %get3A_571, %dot_general3A_572 {dimension_numbers = #tpu.dot_dimension_numbers<[1], [0], [0], [1], [0, 0, 1, 1], [], []>, transpose_lhs_hint = false} : vector<16x1152xf32>, vector<1152x32xf32>, vector<16x32xf32> -> vector<16x32xf32>
    %get3A_574 = arith.constant 0 : index
    %get3A_575 = arith.constant 0 : index
    %get3A_576 = vector.load %arg13[%get3A_574, %get3A_575] : memref<1x32xf32, #tpu.memory_space<vmem>>, vector<1x32xf32>
    %add3A_577 = vector.broadcast %get3A_576 : vector<1x32xf32> to vector<16x32xf32>
    %add3A_578 = arith.addf %dot_general3A_573, %add3A_577 : vector<16x32xf32>
    %reshape3A = vector.shape_cast %dot_general3A_568 : vector<16x32xf32> to vector<1x16x32xf32>
    %reshape3A_579 = vector.shape_cast %add3A_578 : vector<16x32xf32> to vector<1x16x32xf32>
    %concatenate3A_580 = tpu.concatenate %reshape3A, %reshape3A_579 in 0 : vector<1x16x32xf32>, vector<1x16x32xf32> -> vector<2x16x32xf32>
    %swap3A_581 = arith.constant 0 : index
    %swap3A_582 = arith.constant 0 : index
    %swap3A_583 = arith.constant 0 : index
    %swap3A_584 = vector.load %arg22[%swap3A_581, %swap3A_582, %swap3A_583] : memref<2x16x32xf32, #tpu.memory_space<vmem>>, vector<2x16x32xf32>
    tpu.vector_store %arg22[%swap3A_581, %swap3A_582, %swap3A_583], %concatenate3A_580 {strides = array<i32>} : memref<2x16x32xf32, #tpu.memory_space<vmem>>, vector<2x16x32xf32>,
    return
  }
}

module attributes {stable_mosaic.version = 14 : i64} {
  func.func @_main_kernel(%arg0: memref<64x64x64xf32, #tpu.memory_space<vmem>>, %arg1: memref<256x256xf32, #tpu.memory_space<vmem>>, %arg2: memref<256x16xf32, #tpu.memory_space<vmem>>, %arg3: memref<256x16xf32, #tpu.memory_space<vmem>>, %arg4: memref<1024x16xf32, #tpu.memory_space<vmem>>, %arg5: memref<1024x1xf32, #tpu.memory_space<vmem>>, %arg6: memref<1024x1xf32, #tpu.memory_space<vmem>>, %arg7: memref<256x512xbf16, #tpu.memory_space<vmem>>, %arg8: memref<1024x512xf32, #tpu.memory_space<vmem>>, %arg9: memref<2x1x512xf32, #tpu.memory_space<vmem>>, %arg10: memref<1024x512xf32, #tpu.memory_space<vmem>>) attributes {dimension_semantics = [], scalar_prefetch = 0 : i64, scratch_operands = 0 : i64, tpu.core_type = #tpu.core_type<tc>} {
    %get3A = arith.constant 0 : index
    %get3A_0 = arith.constant 0 : index
    %get3A_1 = arith.constant 0 : index
    %get3A_2 = vector.load %arg0[%get3A, %get3A_0, %get3A_1] : memref<64x64x64xf32, #tpu.memory_space<vmem>>, vector<64x8x64xf32>
    %transpose3A = tpu.transpose %get3A_2, [1, 0, 2] : vector<64x8x64xf32> -> vector<8x64x64xf32>
    %reshape3A = vector.shape_cast %transpose3A : vector<8x64x64xf32> to vector<512x64xf32>
    %transpose3A_3 = tpu.transpose %reshape3A, [1, 0] : vector<512x64xf32> -> vector<64x512xf32>
    %slice3A = vector.extract_strided_slice %transpose3A_3 {offsets = [0, 0], sizes = [64, 128], strides = [1, 1]} : vector<64x512xf32> to vector<64x128xf32>
    %reshape3A_4 = vector.shape_cast %slice3A : vector<64x128xf32> to vector<32x2x128xf32>
    %slice3A_5 = vector.extract_strided_slice %reshape3A_4 {offsets = [0, 0, 0], sizes = [32, 1, 128], strides = [1, 1, 1]} : vector<32x2x128xf32> to vector<32x1x128xf32>
    %squeeze3A = vector.shape_cast %slice3A_5 : vector<32x1x128xf32> to vector<32x128xf32>
    %slice3A_6 = vector.extract_strided_slice %reshape3A_4 {offsets = [0, 1, 0], sizes = [32, 1, 128], strides = [1, 1, 1]} : vector<32x2x128xf32> to vector<32x1x128xf32>
    %squeeze3A_7 = vector.shape_cast %slice3A_6 : vector<32x1x128xf32> to vector<32x128xf32>
    %concatenate3A = tpu.concatenate %squeeze3A, %squeeze3A_7 in 1 : vector<32x128xf32>, vector<32x128xf32> -> vector<32x256xf32>
    %slice3A_8 = vector.extract_strided_slice %transpose3A_3 {offsets = [0, 128], sizes = [64, 128], strides = [1, 1]} : vector<64x512xf32> to vector<64x128xf32>
    %reshape3A_9 = vector.shape_cast %slice3A_8 : vector<64x128xf32> to vector<32x2x128xf32>
    %slice3A_10 = vector.extract_strided_slice %reshape3A_9 {offsets = [0, 0, 0], sizes = [32, 1, 128], strides = [1, 1, 1]} : vector<32x2x128xf32> to vector<32x1x128xf32>
    %squeeze3A_11 = vector.shape_cast %slice3A_10 : vector<32x1x128xf32> to vector<32x128xf32>
    %slice3A_12 = vector.extract_strided_slice %reshape3A_9 {offsets = [0, 1, 0], sizes = [32, 1, 128], strides = [1, 1, 1]} : vector<32x2x128xf32> to vector<32x1x128xf32>
    %squeeze3A_13 = vector.shape_cast %slice3A_12 : vector<32x1x128xf32> to vector<32x128xf32>
    %concatenate3A_14 = tpu.concatenate %squeeze3A_11, %squeeze3A_13 in 1 : vector<32x128xf32>, vector<32x128xf32> -> vector<32x256xf32>
    %slice3A_15 = vector.extract_strided_slice %transpose3A_3 {offsets = [0, 256], sizes = [64, 128], strides = [1, 1]} : vector<64x512xf32> to vector<64x128xf32>
    %reshape3A_16 = vector.shape_cast %slice3A_15 : vector<64x128xf32> to vector<32x2x128xf32>
    %slice3A_17 = vector.extract_strided_slice %reshape3A_16 {offsets = [0, 0, 0], sizes = [32, 1, 128], strides = [1, 1, 1]} : vector<32x2x128xf32> to vector<32x1x128xf32>
    %squeeze3A_18 = vector.shape_cast %slice3A_17 : vector<32x1x128xf32> to vector<32x128xf32>
    %slice3A_19 = vector.extract_strided_slice %reshape3A_16 {offsets = [0, 1, 0], sizes = [32, 1, 128], strides = [1, 1, 1]} : vector<32x2x128xf32> to vector<32x1x128xf32>
    %squeeze3A_20 = vector.shape_cast %slice3A_19 : vector<32x1x128xf32> to vector<32x128xf32>
    %concatenate3A_21 = tpu.concatenate %squeeze3A_18, %squeeze3A_20 in 1 : vector<32x128xf32>, vector<32x128xf32> -> vector<32x256xf32>
    %slice3A_22 = vector.extract_strided_slice %transpose3A_3 {offsets = [0, 384], sizes = [64, 128], strides = [1, 1]} : vector<64x512xf32> to vector<64x128xf32>
    %reshape3A_23 = vector.shape_cast %slice3A_22 : vector<64x128xf32> to vector<32x2x128xf32>
    %slice3A_24 = vector.extract_strided_slice %reshape3A_23 {offsets = [0, 0, 0], sizes = [32, 1, 128], strides = [1, 1, 1]} : vector<32x2x128xf32> to vector<32x1x128xf32>
    %squeeze3A_25 = vector.shape_cast %slice3A_24 : vector<32x1x128xf32> to vector<32x128xf32>
    %slice3A_26 = vector.extract_strided_slice %reshape3A_23 {offsets = [0, 1, 0], sizes = [32, 1, 128], strides = [1, 1, 1]} : vector<32x2x128xf32> to vector<32x1x128xf32>
    %squeeze3A_27 = vector.shape_cast %slice3A_26 : vector<32x1x128xf32> to vector<32x128xf32>
    %concatenate3A_28 = tpu.concatenate %squeeze3A_25, %squeeze3A_27 in 1 : vector<32x128xf32>, vector<32x128xf32> -> vector<32x256xf32>
    %get3A_29 = arith.constant 0 : index
    %get3A_30 = arith.constant 8 : index
    %get3A_31 = arith.constant 0 : index
    %get3A_32 = vector.load %arg0[%get3A_29, %get3A_30, %get3A_31] : memref<64x64x64xf32, #tpu.memory_space<vmem>>, vector<64x8x64xf32>
    %transpose3A_33 = tpu.transpose %get3A_32, [1, 0, 2] : vector<64x8x64xf32> -> vector<8x64x64xf32>
    %reshape3A_34 = vector.shape_cast %transpose3A_33 : vector<8x64x64xf32> to vector<512x64xf32>
    %transpose3A_35 = tpu.transpose %reshape3A_34, [1, 0] : vector<512x64xf32> -> vector<64x512xf32>
    %slice3A_36 = vector.extract_strided_slice %transpose3A_35 {offsets = [0, 0], sizes = [64, 128], strides = [1, 1]} : vector<64x512xf32> to vector<64x128xf32>
    %reshape3A_37 = vector.shape_cast %slice3A_36 : vector<64x128xf32> to vector<32x2x128xf32>
    %slice3A_38 = vector.extract_strided_slice %reshape3A_37 {offsets = [0, 0, 0], sizes = [32, 1, 128], strides = [1, 1, 1]} : vector<32x2x128xf32> to vector<32x1x128xf32>
    %squeeze3A_39 = vector.shape_cast %slice3A_38 : vector<32x1x128xf32> to vector<32x128xf32>
    %slice3A_40 = vector.extract_strided_slice %reshape3A_37 {offsets = [0, 1, 0], sizes = [32, 1, 128], strides = [1, 1, 1]} : vector<32x2x128xf32> to vector<32x1x128xf32>
    %squeeze3A_41 = vector.shape_cast %slice3A_40 : vector<32x1x128xf32> to vector<32x128xf32>
    %concatenate3A_42 = tpu.concatenate %squeeze3A_39, %squeeze3A_41 in 1 : vector<32x128xf32>, vector<32x128xf32> -> vector<32x256xf32>
    %slice3A_43 = vector.extract_strided_slice %transpose3A_35 {offsets = [0, 128], sizes = [64, 128], strides = [1, 1]} : vector<64x512xf32> to vector<64x128xf32>
    %reshape3A_44 = vector.shape_cast %slice3A_43 : vector<64x128xf32> to vector<32x2x128xf32>
    %slice3A_45 = vector.extract_strided_slice %reshape3A_44 {offsets = [0, 0, 0], sizes = [32, 1, 128], strides = [1, 1, 1]} : vector<32x2x128xf32> to vector<32x1x128xf32>
    %squeeze3A_46 = vector.shape_cast %slice3A_45 : vector<32x1x128xf32> to vector<32x128xf32>
    %slice3A_47 = vector.extract_strided_slice %reshape3A_44 {offsets = [0, 1, 0], sizes = [32, 1, 128], strides = [1, 1, 1]} : vector<32x2x128xf32> to vector<32x1x128xf32>
    %squeeze3A_48 = vector.shape_cast %slice3A_47 : vector<32x1x128xf32> to vector<32x128xf32>
    %concatenate3A_49 = tpu.concatenate %squeeze3A_46, %squeeze3A_48 in 1 : vector<32x128xf32>, vector<32x128xf32> -> vector<32x256xf32>
    %slice3A_50 = vector.extract_strided_slice %transpose3A_35 {offsets = [0, 256], sizes = [64, 128], strides = [1, 1]} : vector<64x512xf32> to vector<64x128xf32>
    %reshape3A_51 = vector.shape_cast %slice3A_50 : vector<64x128xf32> to vector<32x2x128xf32>
    %slice3A_52 = vector.extract_strided_slice %reshape3A_51 {offsets = [0, 0, 0], sizes = [32, 1, 128], strides = [1, 1, 1]} : vector<32x2x128xf32> to vector<32x1x128xf32>
    %squeeze3A_53 = vector.shape_cast %slice3A_52 : vector<32x1x128xf32> to vector<32x128xf32>
    %slice3A_54 = vector.extract_strided_slice %reshape3A_51 {offsets = [0, 1, 0], sizes = [32, 1, 128], strides = [1, 1, 1]} : vector<32x2x128xf32> to vector<32x1x128xf32>
    %squeeze3A_55 = vector.shape_cast %slice3A_54 : vector<32x1x128xf32> to vector<32x128xf32>
    %concatenate3A_56 = tpu.concatenate %squeeze3A_53, %squeeze3A_55 in 1 : vector<32x128xf32>, vector<32x128xf32> -> vector<32x256xf32>
    %slice3A_57 = vector.extract_strided_slice %transpose3A_35 {offsets = [0, 384], sizes = [64, 128], strides = [1, 1]} : vector<64x512xf32> to vector<64x128xf32>
    %reshape3A_58 = vector.shape_cast %slice3A_57 : vector<64x128xf32> to vector<32x2x128xf32>
    %slice3A_59 = vector.extract_strided_slice %reshape3A_58 {offsets = [0, 0, 0], sizes = [32, 1, 128], strides = [1, 1, 1]} : vector<32x2x128xf32> to vector<32x1x128xf32>
    %squeeze3A_60 = vector.shape_cast %slice3A_59 : vector<32x1x128xf32> to vector<32x128xf32>
    %slice3A_61 = vector.extract_strided_slice %reshape3A_58 {offsets = [0, 1, 0], sizes = [32, 1, 128], strides = [1, 1, 1]} : vector<32x2x128xf32> to vector<32x1x128xf32>
    %squeeze3A_62 = vector.shape_cast %slice3A_61 : vector<32x1x128xf32> to vector<32x128xf32>
    %concatenate3A_63 = tpu.concatenate %squeeze3A_60, %squeeze3A_62 in 1 : vector<32x128xf32>, vector<32x128xf32> -> vector<32x256xf32>
    %get3A_64 = arith.constant 0 : index
    %get3A_65 = arith.constant 16 : index
    %get3A_66 = arith.constant 0 : index
    %get3A_67 = vector.load %arg0[%get3A_64, %get3A_65, %get3A_66] : memref<64x64x64xf32, #tpu.memory_space<vmem>>, vector<64x8x64xf32>
    %transpose3A_68 = tpu.transpose %get3A_67, [1, 0, 2] : vector<64x8x64xf32> -> vector<8x64x64xf32>
    %reshape3A_69 = vector.shape_cast %transpose3A_68 : vector<8x64x64xf32> to vector<512x64xf32>
    %transpose3A_70 = tpu.transpose %reshape3A_69, [1, 0] : vector<512x64xf32> -> vector<64x512xf32>
    %slice3A_71 = vector.extract_strided_slice %transpose3A_70 {offsets = [0, 0], sizes = [64, 128], strides = [1, 1]} : vector<64x512xf32> to vector<64x128xf32>
    %reshape3A_72 = vector.shape_cast %slice3A_71 : vector<64x128xf32> to vector<32x2x128xf32>
    %slice3A_73 = vector.extract_strided_slice %reshape3A_72 {offsets = [0, 0, 0], sizes = [32, 1, 128], strides = [1, 1, 1]} : vector<32x2x128xf32> to vector<32x1x128xf32>
    %squeeze3A_74 = vector.shape_cast %slice3A_73 : vector<32x1x128xf32> to vector<32x128xf32>
    %slice3A_75 = vector.extract_strided_slice %reshape3A_72 {offsets = [0, 1, 0], sizes = [32, 1, 128], strides = [1, 1, 1]} : vector<32x2x128xf32> to vector<32x1x128xf32>
    %squeeze3A_76 = vector.shape_cast %slice3A_75 : vector<32x1x128xf32> to vector<32x128xf32>
    %concatenate3A_77 = tpu.concatenate %squeeze3A_74, %squeeze3A_76 in 1 : vector<32x128xf32>, vector<32x128xf32> -> vector<32x256xf32>
    %slice3A_78 = vector.extract_strided_slice %transpose3A_70 {offsets = [0, 128], sizes = [64, 128], strides = [1, 1]} : vector<64x512xf32> to vector<64x128xf32>
    %reshape3A_79 = vector.shape_cast %slice3A_78 : vector<64x128xf32> to vector<32x2x128xf32>
    %slice3A_80 = vector.extract_strided_slice %reshape3A_79 {offsets = [0, 0, 0], sizes = [32, 1, 128], strides = [1, 1, 1]} : vector<32x2x128xf32> to vector<32x1x128xf32>
    %squeeze3A_81 = vector.shape_cast %slice3A_80 : vector<32x1x128xf32> to vector<32x128xf32>
    %slice3A_82 = vector.extract_strided_slice %reshape3A_79 {offsets = [0, 1, 0], sizes = [32, 1, 128], strides = [1, 1, 1]} : vector<32x2x128xf32> to vector<32x1x128xf32>
    %squeeze3A_83 = vector.shape_cast %slice3A_82 : vector<32x1x128xf32> to vector<32x128xf32>
    %concatenate3A_84 = tpu.concatenate %squeeze3A_81, %squeeze3A_83 in 1 : vector<32x128xf32>, vector<32x128xf32> -> vector<32x256xf32>
    %slice3A_85 = vector.extract_strided_slice %transpose3A_70 {offsets = [0, 256], sizes = [64, 128], strides = [1, 1]} : vector<64x512xf32> to vector<64x128xf32>
    %reshape3A_86 = vector.shape_cast %slice3A_85 : vector<64x128xf32> to vector<32x2x128xf32>
    %slice3A_87 = vector.extract_strided_slice %reshape3A_86 {offsets = [0, 0, 0], sizes = [32, 1, 128], strides = [1, 1, 1]} : vector<32x2x128xf32> to vector<32x1x128xf32>
    %squeeze3A_88 = vector.shape_cast %slice3A_87 : vector<32x1x128xf32> to vector<32x128xf32>
    %slice3A_89 = vector.extract_strided_slice %reshape3A_86 {offsets = [0, 1, 0], sizes = [32, 1, 128], strides = [1, 1, 1]} : vector<32x2x128xf32> to vector<32x1x128xf32>
    %squeeze3A_90 = vector.shape_cast %slice3A_89 : vector<32x1x128xf32> to vector<32x128xf32>
    %concatenate3A_91 = tpu.concatenate %squeeze3A_88, %squeeze3A_90 in 1 : vector<32x128xf32>, vector<32x128xf32> -> vector<32x256xf32>
    %slice3A_92 = vector.extract_strided_slice %transpose3A_70 {offsets = [0, 384], sizes = [64, 128], strides = [1, 1]} : vector<64x512xf32> to vector<64x128xf32>
    %reshape3A_93 = vector.shape_cast %slice3A_92 : vector<64x128xf32> to vector<32x2x128xf32>
    %slice3A_94 = vector.extract_strided_slice %reshape3A_93 {offsets = [0, 0, 0], sizes = [32, 1, 128], strides = [1, 1, 1]} : vector<32x2x128xf32> to vector<32x1x128xf32>
    %squeeze3A_95 = vector.shape_cast %slice3A_94 : vector<32x1x128xf32> to vector<32x128xf32>
    %slice3A_96 = vector.extract_strided_slice %reshape3A_93 {offsets = [0, 1, 0], sizes = [32, 1, 128], strides = [1, 1, 1]} : vector<32x2x128xf32> to vector<32x1x128xf32>
    %squeeze3A_97 = vector.shape_cast %slice3A_96 : vector<32x1x128xf32> to vector<32x128xf32>
    %concatenate3A_98 = tpu.concatenate %squeeze3A_95, %squeeze3A_97 in 1 : vector<32x128xf32>, vector<32x128xf32> -> vector<32x256xf32>
    %get3A_99 = arith.constant 0 : index
    %get3A_100 = arith.constant 24 : index
    %get3A_101 = arith.constant 0 : index
    %get3A_102 = vector.load %arg0[%get3A_99, %get3A_100, %get3A_101] : memref<64x64x64xf32, #tpu.memory_space<vmem>>, vector<64x8x64xf32>
    %transpose3A_103 = tpu.transpose %get3A_102, [1, 0, 2] : vector<64x8x64xf32> -> vector<8x64x64xf32>
    %reshape3A_104 = vector.shape_cast %transpose3A_103 : vector<8x64x64xf32> to vector<512x64xf32>
    %transpose3A_105 = tpu.transpose %reshape3A_104, [1, 0] : vector<512x64xf32> -> vector<64x512xf32>
    %slice3A_106 = vector.extract_strided_slice %transpose3A_105 {offsets = [0, 0], sizes = [64, 128], strides = [1, 1]} : vector<64x512xf32> to vector<64x128xf32>
    %reshape3A_107 = vector.shape_cast %slice3A_106 : vector<64x128xf32> to vector<32x2x128xf32>
    %slice3A_108 = vector.extract_strided_slice %reshape3A_107 {offsets = [0, 0, 0], sizes = [32, 1, 128], strides = [1, 1, 1]} : vector<32x2x128xf32> to vector<32x1x128xf32>
    %squeeze3A_109 = vector.shape_cast %slice3A_108 : vector<32x1x128xf32> to vector<32x128xf32>
    %slice3A_110 = vector.extract_strided_slice %reshape3A_107 {offsets = [0, 1, 0], sizes = [32, 1, 128], strides = [1, 1, 1]} : vector<32x2x128xf32> to vector<32x1x128xf32>
    %squeeze3A_111 = vector.shape_cast %slice3A_110 : vector<32x1x128xf32> to vector<32x128xf32>
    %concatenate3A_112 = tpu.concatenate %squeeze3A_109, %squeeze3A_111 in 1 : vector<32x128xf32>, vector<32x128xf32> -> vector<32x256xf32>
    %slice3A_113 = vector.extract_strided_slice %transpose3A_105 {offsets = [0, 128], sizes = [64, 128], strides = [1, 1]} : vector<64x512xf32> to vector<64x128xf32>
    %reshape3A_114 = vector.shape_cast %slice3A_113 : vector<64x128xf32> to vector<32x2x128xf32>
    %slice3A_115 = vector.extract_strided_slice %reshape3A_114 {offsets = [0, 0, 0], sizes = [32, 1, 128], strides = [1, 1, 1]} : vector<32x2x128xf32> to vector<32x1x128xf32>
    %squeeze3A_116 = vector.shape_cast %slice3A_115 : vector<32x1x128xf32> to vector<32x128xf32>
    %slice3A_117 = vector.extract_strided_slice %reshape3A_114 {offsets = [0, 1, 0], sizes = [32, 1, 128], strides = [1, 1, 1]} : vector<32x2x128xf32> to vector<32x1x128xf32>
    %squeeze3A_118 = vector.shape_cast %slice3A_117 : vector<32x1x128xf32> to vector<32x128xf32>
    %concatenate3A_119 = tpu.concatenate %squeeze3A_116, %squeeze3A_118 in 1 : vector<32x128xf32>, vector<32x128xf32> -> vector<32x256xf32>
    %slice3A_120 = vector.extract_strided_slice %transpose3A_105 {offsets = [0, 256], sizes = [64, 128], strides = [1, 1]} : vector<64x512xf32> to vector<64x128xf32>
    %reshape3A_121 = vector.shape_cast %slice3A_120 : vector<64x128xf32> to vector<32x2x128xf32>
    %slice3A_122 = vector.extract_strided_slice %reshape3A_121 {offsets = [0, 0, 0], sizes = [32, 1, 128], strides = [1, 1, 1]} : vector<32x2x128xf32> to vector<32x1x128xf32>
    %squeeze3A_123 = vector.shape_cast %slice3A_122 : vector<32x1x128xf32> to vector<32x128xf32>
    %slice3A_124 = vector.extract_strided_slice %reshape3A_121 {offsets = [0, 1, 0], sizes = [32, 1, 128], strides = [1, 1, 1]} : vector<32x2x128xf32> to vector<32x1x128xf32>
    %squeeze3A_125 = vector.shape_cast %slice3A_124 : vector<32x1x128xf32> to vector<32x128xf32>
    %concatenate3A_126 = tpu.concatenate %squeeze3A_123, %squeeze3A_125 in 1 : vector<32x128xf32>, vector<32x128xf32> -> vector<32x256xf32>
    %slice3A_127 = vector.extract_strided_slice %transpose3A_105 {offsets = [0, 384], sizes = [64, 128], strides = [1, 1]} : vector<64x512xf32> to vector<64x128xf32>
    %reshape3A_128 = vector.shape_cast %slice3A_127 : vector<64x128xf32> to vector<32x2x128xf32>
    %slice3A_129 = vector.extract_strided_slice %reshape3A_128 {offsets = [0, 0, 0], sizes = [32, 1, 128], strides = [1, 1, 1]} : vector<32x2x128xf32> to vector<32x1x128xf32>
    %squeeze3A_130 = vector.shape_cast %slice3A_129 : vector<32x1x128xf32> to vector<32x128xf32>
    %slice3A_131 = vector.extract_strided_slice %reshape3A_128 {offsets = [0, 1, 0], sizes = [32, 1, 128], strides = [1, 1, 1]} : vector<32x2x128xf32> to vector<32x1x128xf32>
    %squeeze3A_132 = vector.shape_cast %slice3A_131 : vector<32x1x128xf32> to vector<32x128xf32>
    %concatenate3A_133 = tpu.concatenate %squeeze3A_130, %squeeze3A_132 in 1 : vector<32x128xf32>, vector<32x128xf32> -> vector<32x256xf32>
    %get3A_134 = arith.constant 0 : index
    %get3A_135 = arith.constant 32 : index
    %get3A_136 = arith.constant 0 : index
    %get3A_137 = vector.load %arg0[%get3A_134, %get3A_135, %get3A_136] : memref<64x64x64xf32, #tpu.memory_space<vmem>>, vector<64x8x64xf32>
    %transpose3A_138 = tpu.transpose %get3A_137, [1, 0, 2] : vector<64x8x64xf32> -> vector<8x64x64xf32>
    %reshape3A_139 = vector.shape_cast %transpose3A_138 : vector<8x64x64xf32> to vector<512x64xf32>
    %transpose3A_140 = tpu.transpose %reshape3A_139, [1, 0] : vector<512x64xf32> -> vector<64x512xf32>
    %slice3A_141 = vector.extract_strided_slice %transpose3A_140 {offsets = [0, 0], sizes = [64, 128], strides = [1, 1]} : vector<64x512xf32> to vector<64x128xf32>
    %reshape3A_142 = vector.shape_cast %slice3A_141 : vector<64x128xf32> to vector<32x2x128xf32>
    %slice3A_143 = vector.extract_strided_slice %reshape3A_142 {offsets = [0, 0, 0], sizes = [32, 1, 128], strides = [1, 1, 1]} : vector<32x2x128xf32> to vector<32x1x128xf32>
    %squeeze3A_144 = vector.shape_cast %slice3A_143 : vector<32x1x128xf32> to vector<32x128xf32>
    %slice3A_145 = vector.extract_strided_slice %reshape3A_142 {offsets = [0, 1, 0], sizes = [32, 1, 128], strides = [1, 1, 1]} : vector<32x2x128xf32> to vector<32x1x128xf32>
    %squeeze3A_146 = vector.shape_cast %slice3A_145 : vector<32x1x128xf32> to vector<32x128xf32>
    %concatenate3A_147 = tpu.concatenate %squeeze3A_144, %squeeze3A_146 in 1 : vector<32x128xf32>, vector<32x128xf32> -> vector<32x256xf32>
    %slice3A_148 = vector.extract_strided_slice %transpose3A_140 {offsets = [0, 128], sizes = [64, 128], strides = [1, 1]} : vector<64x512xf32> to vector<64x128xf32>
    %reshape3A_149 = vector.shape_cast %slice3A_148 : vector<64x128xf32> to vector<32x2x128xf32>
    %slice3A_150 = vector.extract_strided_slice %reshape3A_149 {offsets = [0, 0, 0], sizes = [32, 1, 128], strides = [1, 1, 1]} : vector<32x2x128xf32> to vector<32x1x128xf32>
    %squeeze3A_151 = vector.shape_cast %slice3A_150 : vector<32x1x128xf32> to vector<32x128xf32>
    %slice3A_152 = vector.extract_strided_slice %reshape3A_149 {offsets = [0, 1, 0], sizes = [32, 1, 128], strides = [1, 1, 1]} : vector<32x2x128xf32> to vector<32x1x128xf32>
    %squeeze3A_153 = vector.shape_cast %slice3A_152 : vector<32x1x128xf32> to vector<32x128xf32>
    %concatenate3A_154 = tpu.concatenate %squeeze3A_151, %squeeze3A_153 in 1 : vector<32x128xf32>, vector<32x128xf32> -> vector<32x256xf32>
    %slice3A_155 = vector.extract_strided_slice %transpose3A_140 {offsets = [0, 256], sizes = [64, 128], strides = [1, 1]} : vector<64x512xf32> to vector<64x128xf32>
    %reshape3A_156 = vector.shape_cast %slice3A_155 : vector<64x128xf32> to vector<32x2x128xf32>
    %slice3A_157 = vector.extract_strided_slice %reshape3A_156 {offsets = [0, 0, 0], sizes = [32, 1, 128], strides = [1, 1, 1]} : vector<32x2x128xf32> to vector<32x1x128xf32>
    %squeeze3A_158 = vector.shape_cast %slice3A_157 : vector<32x1x128xf32> to vector<32x128xf32>
    %slice3A_159 = vector.extract_strided_slice %reshape3A_156 {offsets = [0, 1, 0], sizes = [32, 1, 128], strides = [1, 1, 1]} : vector<32x2x128xf32> to vector<32x1x128xf32>
    %squeeze3A_160 = vector.shape_cast %slice3A_159 : vector<32x1x128xf32> to vector<32x128xf32>
    %concatenate3A_161 = tpu.concatenate %squeeze3A_158, %squeeze3A_160 in 1 : vector<32x128xf32>, vector<32x128xf32> -> vector<32x256xf32>
    %slice3A_162 = vector.extract_strided_slice %transpose3A_140 {offsets = [0, 384], sizes = [64, 128], strides = [1, 1]} : vector<64x512xf32> to vector<64x128xf32>
    %reshape3A_163 = vector.shape_cast %slice3A_162 : vector<64x128xf32> to vector<32x2x128xf32>
    %slice3A_164 = vector.extract_strided_slice %reshape3A_163 {offsets = [0, 0, 0], sizes = [32, 1, 128], strides = [1, 1, 1]} : vector<32x2x128xf32> to vector<32x1x128xf32>
    %squeeze3A_165 = vector.shape_cast %slice3A_164 : vector<32x1x128xf32> to vector<32x128xf32>
    %slice3A_166 = vector.extract_strided_slice %reshape3A_163 {offsets = [0, 1, 0], sizes = [32, 1, 128], strides = [1, 1, 1]} : vector<32x2x128xf32> to vector<32x1x128xf32>
    %squeeze3A_167 = vector.shape_cast %slice3A_166 : vector<32x1x128xf32> to vector<32x128xf32>
    %concatenate3A_168 = tpu.concatenate %squeeze3A_165, %squeeze3A_167 in 1 : vector<32x128xf32>, vector<32x128xf32> -> vector<32x256xf32>
    %get3A_169 = arith.constant 0 : index
    %get3A_170 = arith.constant 40 : index
    %get3A_171 = arith.constant 0 : index
    %get3A_172 = vector.load %arg0[%get3A_169, %get3A_170, %get3A_171] : memref<64x64x64xf32, #tpu.memory_space<vmem>>, vector<64x8x64xf32>
    %transpose3A_173 = tpu.transpose %get3A_172, [1, 0, 2] : vector<64x8x64xf32> -> vector<8x64x64xf32>
    %reshape3A_174 = vector.shape_cast %transpose3A_173 : vector<8x64x64xf32> to vector<512x64xf32>
    %transpose3A_175 = tpu.transpose %reshape3A_174, [1, 0] : vector<512x64xf32> -> vector<64x512xf32>
    %slice3A_176 = vector.extract_strided_slice %transpose3A_175 {offsets = [0, 0], sizes = [64, 128], strides = [1, 1]} : vector<64x512xf32> to vector<64x128xf32>
    %reshape3A_177 = vector.shape_cast %slice3A_176 : vector<64x128xf32> to vector<32x2x128xf32>
    %slice3A_178 = vector.extract_strided_slice %reshape3A_177 {offsets = [0, 0, 0], sizes = [32, 1, 128], strides = [1, 1, 1]} : vector<32x2x128xf32> to vector<32x1x128xf32>
    %squeeze3A_179 = vector.shape_cast %slice3A_178 : vector<32x1x128xf32> to vector<32x128xf32>
    %slice3A_180 = vector.extract_strided_slice %reshape3A_177 {offsets = [0, 1, 0], sizes = [32, 1, 128], strides = [1, 1, 1]} : vector<32x2x128xf32> to vector<32x1x128xf32>
    %squeeze3A_181 = vector.shape_cast %slice3A_180 : vector<32x1x128xf32> to vector<32x128xf32>
    %concatenate3A_182 = tpu.concatenate %squeeze3A_179, %squeeze3A_181 in 1 : vector<32x128xf32>, vector<32x128xf32> -> vector<32x256xf32>
    %slice3A_183 = vector.extract_strided_slice %transpose3A_175 {offsets = [0, 128], sizes = [64, 128], strides = [1, 1]} : vector<64x512xf32> to vector<64x128xf32>
    %reshape3A_184 = vector.shape_cast %slice3A_183 : vector<64x128xf32> to vector<32x2x128xf32>
    %slice3A_185 = vector.extract_strided_slice %reshape3A_184 {offsets = [0, 0, 0], sizes = [32, 1, 128], strides = [1, 1, 1]} : vector<32x2x128xf32> to vector<32x1x128xf32>
    %squeeze3A_186 = vector.shape_cast %slice3A_185 : vector<32x1x128xf32> to vector<32x128xf32>
    %slice3A_187 = vector.extract_strided_slice %reshape3A_184 {offsets = [0, 1, 0], sizes = [32, 1, 128], strides = [1, 1, 1]} : vector<32x2x128xf32> to vector<32x1x128xf32>
    %squeeze3A_188 = vector.shape_cast %slice3A_187 : vector<32x1x128xf32> to vector<32x128xf32>
    %concatenate3A_189 = tpu.concatenate %squeeze3A_186, %squeeze3A_188 in 1 : vector<32x128xf32>, vector<32x128xf32> -> vector<32x256xf32>
    %slice3A_190 = vector.extract_strided_slice %transpose3A_175 {offsets = [0, 256], sizes = [64, 128], strides = [1, 1]} : vector<64x512xf32> to vector<64x128xf32>
    %reshape3A_191 = vector.shape_cast %slice3A_190 : vector<64x128xf32> to vector<32x2x128xf32>
    %slice3A_192 = vector.extract_strided_slice %reshape3A_191 {offsets = [0, 0, 0], sizes = [32, 1, 128], strides = [1, 1, 1]} : vector<32x2x128xf32> to vector<32x1x128xf32>
    %squeeze3A_193 = vector.shape_cast %slice3A_192 : vector<32x1x128xf32> to vector<32x128xf32>
    %slice3A_194 = vector.extract_strided_slice %reshape3A_191 {offsets = [0, 1, 0], sizes = [32, 1, 128], strides = [1, 1, 1]} : vector<32x2x128xf32> to vector<32x1x128xf32>
    %squeeze3A_195 = vector.shape_cast %slice3A_194 : vector<32x1x128xf32> to vector<32x128xf32>
    %concatenate3A_196 = tpu.concatenate %squeeze3A_193, %squeeze3A_195 in 1 : vector<32x128xf32>, vector<32x128xf32> -> vector<32x256xf32>
    %slice3A_197 = vector.extract_strided_slice %transpose3A_175 {offsets = [0, 384], sizes = [64, 128], strides = [1, 1]} : vector<64x512xf32> to vector<64x128xf32>
    %reshape3A_198 = vector.shape_cast %slice3A_197 : vector<64x128xf32> to vector<32x2x128xf32>
    %slice3A_199 = vector.extract_strided_slice %reshape3A_198 {offsets = [0, 0, 0], sizes = [32, 1, 128], strides = [1, 1, 1]} : vector<32x2x128xf32> to vector<32x1x128xf32>
    %squeeze3A_200 = vector.shape_cast %slice3A_199 : vector<32x1x128xf32> to vector<32x128xf32>
    %slice3A_201 = vector.extract_strided_slice %reshape3A_198 {offsets = [0, 1, 0], sizes = [32, 1, 128], strides = [1, 1, 1]} : vector<32x2x128xf32> to vector<32x1x128xf32>
    %squeeze3A_202 = vector.shape_cast %slice3A_201 : vector<32x1x128xf32> to vector<32x128xf32>
    %concatenate3A_203 = tpu.concatenate %squeeze3A_200, %squeeze3A_202 in 1 : vector<32x128xf32>, vector<32x128xf32> -> vector<32x256xf32>
    %get3A_204 = arith.constant 0 : index
    %get3A_205 = arith.constant 48 : index
    %get3A_206 = arith.constant 0 : index
    %get3A_207 = vector.load %arg0[%get3A_204, %get3A_205, %get3A_206] : memref<64x64x64xf32, #tpu.memory_space<vmem>>, vector<64x8x64xf32>
    %transpose3A_208 = tpu.transpose %get3A_207, [1, 0, 2] : vector<64x8x64xf32> -> vector<8x64x64xf32>
    %reshape3A_209 = vector.shape_cast %transpose3A_208 : vector<8x64x64xf32> to vector<512x64xf32>
    %transpose3A_210 = tpu.transpose %reshape3A_209, [1, 0] : vector<512x64xf32> -> vector<64x512xf32>
    %slice3A_211 = vector.extract_strided_slice %transpose3A_210 {offsets = [0, 0], sizes = [64, 128], strides = [1, 1]} : vector<64x512xf32> to vector<64x128xf32>
    %reshape3A_212 = vector.shape_cast %slice3A_211 : vector<64x128xf32> to vector<32x2x128xf32>
    %slice3A_213 = vector.extract_strided_slice %reshape3A_212 {offsets = [0, 0, 0], sizes = [32, 1, 128], strides = [1, 1, 1]} : vector<32x2x128xf32> to vector<32x1x128xf32>
    %squeeze3A_214 = vector.shape_cast %slice3A_213 : vector<32x1x128xf32> to vector<32x128xf32>
    %slice3A_215 = vector.extract_strided_slice %reshape3A_212 {offsets = [0, 1, 0], sizes = [32, 1, 128], strides = [1, 1, 1]} : vector<32x2x128xf32> to vector<32x1x128xf32>
    %squeeze3A_216 = vector.shape_cast %slice3A_215 : vector<32x1x128xf32> to vector<32x128xf32>
    %concatenate3A_217 = tpu.concatenate %squeeze3A_214, %squeeze3A_216 in 1 : vector<32x128xf32>, vector<32x128xf32> -> vector<32x256xf32>
    %slice3A_218 = vector.extract_strided_slice %transpose3A_210 {offsets = [0, 128], sizes = [64, 128], strides = [1, 1]} : vector<64x512xf32> to vector<64x128xf32>
    %reshape3A_219 = vector.shape_cast %slice3A_218 : vector<64x128xf32> to vector<32x2x128xf32>
    %slice3A_220 = vector.extract_strided_slice %reshape3A_219 {offsets = [0, 0, 0], sizes = [32, 1, 128], strides = [1, 1, 1]} : vector<32x2x128xf32> to vector<32x1x128xf32>
    %squeeze3A_221 = vector.shape_cast %slice3A_220 : vector<32x1x128xf32> to vector<32x128xf32>
    %slice3A_222 = vector.extract_strided_slice %reshape3A_219 {offsets = [0, 1, 0], sizes = [32, 1, 128], strides = [1, 1, 1]} : vector<32x2x128xf32> to vector<32x1x128xf32>
    %squeeze3A_223 = vector.shape_cast %slice3A_222 : vector<32x1x128xf32> to vector<32x128xf32>
    %concatenate3A_224 = tpu.concatenate %squeeze3A_221, %squeeze3A_223 in 1 : vector<32x128xf32>, vector<32x128xf32> -> vector<32x256xf32>
    %slice3A_225 = vector.extract_strided_slice %transpose3A_210 {offsets = [0, 256], sizes = [64, 128], strides = [1, 1]} : vector<64x512xf32> to vector<64x128xf32>
    %reshape3A_226 = vector.shape_cast %slice3A_225 : vector<64x128xf32> to vector<32x2x128xf32>
    %slice3A_227 = vector.extract_strided_slice %reshape3A_226 {offsets = [0, 0, 0], sizes = [32, 1, 128], strides = [1, 1, 1]} : vector<32x2x128xf32> to vector<32x1x128xf32>
    %squeeze3A_228 = vector.shape_cast %slice3A_227 : vector<32x1x128xf32> to vector<32x128xf32>
    %slice3A_229 = vector.extract_strided_slice %reshape3A_226 {offsets = [0, 1, 0], sizes = [32, 1, 128], strides = [1, 1, 1]} : vector<32x2x128xf32> to vector<32x1x128xf32>
    %squeeze3A_230 = vector.shape_cast %slice3A_229 : vector<32x1x128xf32> to vector<32x128xf32>
    %concatenate3A_231 = tpu.concatenate %squeeze3A_228, %squeeze3A_230 in 1 : vector<32x128xf32>, vector<32x128xf32> -> vector<32x256xf32>
    %slice3A_232 = vector.extract_strided_slice %transpose3A_210 {offsets = [0, 384], sizes = [64, 128], strides = [1, 1]} : vector<64x512xf32> to vector<64x128xf32>
    %reshape3A_233 = vector.shape_cast %slice3A_232 : vector<64x128xf32> to vector<32x2x128xf32>
    %slice3A_234 = vector.extract_strided_slice %reshape3A_233 {offsets = [0, 0, 0], sizes = [32, 1, 128], strides = [1, 1, 1]} : vector<32x2x128xf32> to vector<32x1x128xf32>
    %squeeze3A_235 = vector.shape_cast %slice3A_234 : vector<32x1x128xf32> to vector<32x128xf32>
    %slice3A_236 = vector.extract_strided_slice %reshape3A_233 {offsets = [0, 1, 0], sizes = [32, 1, 128], strides = [1, 1, 1]} : vector<32x2x128xf32> to vector<32x1x128xf32>
    %squeeze3A_237 = vector.shape_cast %slice3A_236 : vector<32x1x128xf32> to vector<32x128xf32>
    %concatenate3A_238 = tpu.concatenate %squeeze3A_235, %squeeze3A_237 in 1 : vector<32x128xf32>, vector<32x128xf32> -> vector<32x256xf32>
    %get3A_239 = arith.constant 0 : index
    %get3A_240 = arith.constant 56 : index
    %get3A_241 = arith.constant 0 : index
    %get3A_242 = vector.load %arg0[%get3A_239, %get3A_240, %get3A_241] : memref<64x64x64xf32, #tpu.memory_space<vmem>>, vector<64x8x64xf32>
    %transpose3A_243 = tpu.transpose %get3A_242, [1, 0, 2] : vector<64x8x64xf32> -> vector<8x64x64xf32>
    %reshape3A_244 = vector.shape_cast %transpose3A_243 : vector<8x64x64xf32> to vector<512x64xf32>
    %transpose3A_245 = tpu.transpose %reshape3A_244, [1, 0] : vector<512x64xf32> -> vector<64x512xf32>
    %slice3A_246 = vector.extract_strided_slice %transpose3A_245 {offsets = [0, 0], sizes = [64, 128], strides = [1, 1]} : vector<64x512xf32> to vector<64x128xf32>
    %reshape3A_247 = vector.shape_cast %slice3A_246 : vector<64x128xf32> to vector<32x2x128xf32>
    %slice3A_248 = vector.extract_strided_slice %reshape3A_247 {offsets = [0, 0, 0], sizes = [32, 1, 128], strides = [1, 1, 1]} : vector<32x2x128xf32> to vector<32x1x128xf32>
    %squeeze3A_249 = vector.shape_cast %slice3A_248 : vector<32x1x128xf32> to vector<32x128xf32>
    %slice3A_250 = vector.extract_strided_slice %reshape3A_247 {offsets = [0, 1, 0], sizes = [32, 1, 128], strides = [1, 1, 1]} : vector<32x2x128xf32> to vector<32x1x128xf32>
    %squeeze3A_251 = vector.shape_cast %slice3A_250 : vector<32x1x128xf32> to vector<32x128xf32>
    %concatenate3A_252 = tpu.concatenate %squeeze3A_249, %squeeze3A_251 in 1 : vector<32x128xf32>, vector<32x128xf32> -> vector<32x256xf32>
    %slice3A_253 = vector.extract_strided_slice %transpose3A_245 {offsets = [0, 128], sizes = [64, 128], strides = [1, 1]} : vector<64x512xf32> to vector<64x128xf32>
    %reshape3A_254 = vector.shape_cast %slice3A_253 : vector<64x128xf32> to vector<32x2x128xf32>
    %slice3A_255 = vector.extract_strided_slice %reshape3A_254 {offsets = [0, 0, 0], sizes = [32, 1, 128], strides = [1, 1, 1]} : vector<32x2x128xf32> to vector<32x1x128xf32>
    %squeeze3A_256 = vector.shape_cast %slice3A_255 : vector<32x1x128xf32> to vector<32x128xf32>
    %slice3A_257 = vector.extract_strided_slice %reshape3A_254 {offsets = [0, 1, 0], sizes = [32, 1, 128], strides = [1, 1, 1]} : vector<32x2x128xf32> to vector<32x1x128xf32>
    %squeeze3A_258 = vector.shape_cast %slice3A_257 : vector<32x1x128xf32> to vector<32x128xf32>
    %concatenate3A_259 = tpu.concatenate %squeeze3A_256, %squeeze3A_258 in 1 : vector<32x128xf32>, vector<32x128xf32> -> vector<32x256xf32>
    %slice3A_260 = vector.extract_strided_slice %transpose3A_245 {offsets = [0, 256], sizes = [64, 128], strides = [1, 1]} : vector<64x512xf32> to vector<64x128xf32>
    %reshape3A_261 = vector.shape_cast %slice3A_260 : vector<64x128xf32> to vector<32x2x128xf32>
    %slice3A_262 = vector.extract_strided_slice %reshape3A_261 {offsets = [0, 0, 0], sizes = [32, 1, 128], strides = [1, 1, 1]} : vector<32x2x128xf32> to vector<32x1x128xf32>
    %squeeze3A_263 = vector.shape_cast %slice3A_262 : vector<32x1x128xf32> to vector<32x128xf32>
    %slice3A_264 = vector.extract_strided_slice %reshape3A_261 {offsets = [0, 1, 0], sizes = [32, 1, 128], strides = [1, 1, 1]} : vector<32x2x128xf32> to vector<32x1x128xf32>
    %squeeze3A_265 = vector.shape_cast %slice3A_264 : vector<32x1x128xf32> to vector<32x128xf32>
    %concatenate3A_266 = tpu.concatenate %squeeze3A_263, %squeeze3A_265 in 1 : vector<32x128xf32>, vector<32x128xf32> -> vector<32x256xf32>
    %slice3A_267 = vector.extract_strided_slice %transpose3A_245 {offsets = [0, 384], sizes = [64, 128], strides = [1, 1]} : vector<64x512xf32> to vector<64x128xf32>
    %reshape3A_268 = vector.shape_cast %slice3A_267 : vector<64x128xf32> to vector<32x2x128xf32>
    %slice3A_269 = vector.extract_strided_slice %reshape3A_268 {offsets = [0, 0, 0], sizes = [32, 1, 128], strides = [1, 1, 1]} : vector<32x2x128xf32> to vector<32x1x128xf32>
    %squeeze3A_270 = vector.shape_cast %slice3A_269 : vector<32x1x128xf32> to vector<32x128xf32>
    %slice3A_271 = vector.extract_strided_slice %reshape3A_268 {offsets = [0, 1, 0], sizes = [32, 1, 128], strides = [1, 1, 1]} : vector<32x2x128xf32> to vector<32x1x128xf32>
    %squeeze3A_272 = vector.shape_cast %slice3A_271 : vector<32x1x128xf32> to vector<32x128xf32>
    %concatenate3A_273 = tpu.concatenate %squeeze3A_270, %squeeze3A_272 in 1 : vector<32x128xf32>, vector<32x128xf32> -> vector<32x256xf32>
    %concatenate3A_274 = tpu.concatenate %concatenate3A, %concatenate3A_14, %concatenate3A_21, %concatenate3A_28, %concatenate3A_42, %concatenate3A_49, %concatenate3A_56, %concatenate3A_63, %concatenate3A_77, %concatenate3A_84, %concatenate3A_91, %concatenate3A_98, %concatenate3A_112, %concatenate3A_119, %concatenate3A_126, %concatenate3A_133, %concatenate3A_147, %concatenate3A_154, %concatenate3A_161, %concatenate3A_168, %concatenate3A_182, %concatenate3A_189, %concatenate3A_196, %concatenate3A_203, %concatenate3A_217, %concatenate3A_224, %concatenate3A_231, %concatenate3A_238, %concatenate3A_252, %concatenate3A_259, %concatenate3A_266, %concatenate3A_273 in 0 : vector<32x256xf32>, vector<32x256xf32>, vector<32x256xf32>, vector<32x256xf32>, vector<32x256xf32>, vector<32x256xf32>, vector<32x256xf32>, vector<32x256xf32>, vector<32x256xf32>, vector<32x256xf32>, vector<32x256xf32>, vector<32x256xf32>, vector<32x256xf32>, vector<32x256xf32>, vector<32x256xf32>, vector<32x256xf32>, vector<32x256xf32>, vector<32x256xf32>, vector<32x256xf32>, vector<32x256xf32>, vector<32x256xf32>, vector<32x256xf32>, vector<32x256xf32>, vector<32x256xf32>, vector<32x256xf32>, vector<32x256xf32>, vector<32x256xf32>, vector<32x256xf32>, vector<32x256xf32>, vector<32x256xf32>, vector<32x256xf32>, vector<32x256xf32> -> vector<1024x256xf32>
    %convert_element_type3A = arith.truncf %concatenate3A_274 : vector<1024x256xf32> to vector<1024x256xbf16>
    %get3A_275 = arith.constant 0 : index
    %get3A_276 = arith.constant 0 : index
    %get3A_277 = vector.load %arg1[%get3A_275, %get3A_276] : memref<256x256xf32, #tpu.memory_space<vmem>>, vector<256x256xf32>
    %dot_general3A = arith.constant dense<0.000000e+00> : vector<1024x256xf32>
    %dot_general3A_278 = tpu.matmul %concatenate3A_274, %get3A_277, %dot_general3A {dimension_numbers = #tpu.dot_dimension_numbers<[1], [0], [0], [1], [0, 0, 1, 1], [], []>, transpose_lhs_hint = false} : vector<1024x256xf32>, vector<256x256xf32>, vector<1024x256xf32> -> vector<1024x256xf32>
    %get3A_279 = arith.constant 0 : index
    %get3A_280 = arith.constant 0 : index
    %get3A_281 = vector.load %arg4[%get3A_279, %get3A_280] : memref<1024x16xf32, #tpu.memory_space<vmem>>, vector<1024x16xf32>
    %iota3A = tpu.iota {dimensions = array<i32: 0>} : vector<16x256xi32>
    %iota3A_282 = tpu.iota {dimensions = array<i32: 1>} : vector<16x256xi32>
    %jit3A = arith.constant 4 : i32
    %eq3A = arith.constant 0 : i32
    %eq3A_283 = arith.cmpi eq, %jit3A, %eq3A : i32
    %jit3A_284 = arith.constant 1 : i32
    %select_n3A = arith.select %eq3A_283, %jit3A_284, %jit3A : i32
    %rem3A = vector.broadcast %select_n3A : i32 to vector<16x256xi32>
    %rem3A_285 = arith.remsi %iota3A_282, %rem3A : vector<16x256xi32>
    %ne3A = arith.constant 0 : i32
    %ne3A_286 = vector.broadcast %ne3A : i32 to vector<16x256xi32>
    %ne3A_287 = arith.cmpi ne, %rem3A_285, %ne3A_286 : vector<16x256xi32>
    %lt3A = arith.constant 0 : i32
    %lt3A_288 = vector.broadcast %lt3A : i32 to vector<16x256xi32>
    %lt3A_289 = arith.cmpi slt, %rem3A_285, %lt3A_288 : vector<16x256xi32>
    %lt3A_290 = arith.constant 0 : i32
    %lt3A_291 = arith.cmpi slt, %select_n3A, %lt3A_290 : i32
    %ne3A_292 = vector.broadcast %lt3A_291 : i1 to vector<16x256xi1>
    %ne3A_293 = vector.broadcast %ne3A_292 : vector<16x256xi1> to vector<16x256xi1>
    %ne3A_294 = arith.xori %lt3A_289, %ne3A_293 : vector<16x256xi1>
    %and3A = arith.andi %ne3A_294, %ne3A_287 : vector<16x256xi1>
    %add3A = vector.broadcast %select_n3A : i32 to vector<16x256xi32>
    %add3A_295 = arith.addi %rem3A_285, %add3A : vector<16x256xi32>
    %select_n3A_296 = arith.select %and3A, %add3A_295, %rem3A_285 : vector<16x256xi1>, vector<16x256xi32>
    %mul3A = arith.constant 4 : i32
    %mul3A_297 = vector.broadcast %mul3A : i32 to vector<16x256xi32>
    %mul3A_298 = arith.muli %select_n3A_296, %mul3A_297 : vector<16x256xi32>
    %jit3A_299 = arith.constant 64 : i32
    %div3A = vector.broadcast %jit3A_299 : i32 to vector<16x256xi32>
    %div3A_300 = arith.divsi %iota3A_282, %div3A : vector<16x256xi32>
    %sign3A = arith.constant 0 : i32
    %sign3A_301 = vector.broadcast %sign3A : i32 to vector<16x256xi32>
    %sign3A_302 = arith.cmpi sgt, %iota3A_282, %sign3A_301 : vector<16x256xi32>
    %sign3A_303 = arith.extui %sign3A_302 : vector<16x256xi1> to vector<16x256xi32>
    %sign3A_304 = arith.constant 0 : i32
    %sign3A_305 = vector.broadcast %sign3A_304 : i32 to vector<16x256xi32>
    %sign3A_306 = arith.cmpi slt, %iota3A_282, %sign3A_305 : vector<16x256xi32>
    %sign3A_307 = arith.extui %sign3A_306 : vector<16x256xi1> to vector<16x256xi32>
    %sign3A_308 = arith.subi %sign3A_303, %sign3A_307 : vector<16x256xi32>
    %sign3A_309 = arith.constant 0 : i32
    %sign3A_310 = arith.cmpi sgt, %jit3A_299, %sign3A_309 : i32
    %sign3A_311 = arith.extui %sign3A_310 : i1 to i32
    %sign3A_312 = arith.constant 0 : i32
    %sign3A_313 = arith.cmpi slt, %jit3A_299, %sign3A_312 : i32
    %sign3A_314 = arith.extui %sign3A_313 : i1 to i32
    %sign3A_315 = arith.subi %sign3A_311, %sign3A_314 : i32
    %ne3A_316 = vector.broadcast %sign3A_315 : i32 to vector<16x256xi32>
    %ne3A_317 = arith.cmpi ne, %sign3A_308, %ne3A_316 : vector<16x256xi32>
    %rem3A_318 = vector.broadcast %jit3A_299 : i32 to vector<16x256xi32>
    %rem3A_319 = arith.remsi %iota3A_282, %rem3A_318 : vector<16x256xi32>
    %ne3A_320 = arith.constant 0 : i32
    %ne3A_321 = vector.broadcast %ne3A_320 : i32 to vector<16x256xi32>
    %ne3A_322 = arith.cmpi ne, %rem3A_319, %ne3A_321 : vector<16x256xi32>
    %and3A_323 = arith.andi %ne3A_317, %ne3A_322 : vector<16x256xi1>
    %sub3A = arith.constant 1 : i32
    %sub3A_324 = vector.broadcast %sub3A : i32 to vector<16x256xi32>
    %sub3A_325 = arith.subi %div3A_300, %sub3A_324 : vector<16x256xi32>
    %select_n3A_326 = arith.select %and3A_323, %sub3A_325, %div3A_300 : vector<16x256xi1>, vector<16x256xi32>
    %jit3A_327 = arith.constant 2 : i32
    %eq3A_328 = arith.constant 0 : i32
    %eq3A_329 = arith.cmpi eq, %jit3A_327, %eq3A_328 : i32
    %jit3A_330 = arith.constant 1 : i32
    %select_n3A_331 = arith.select %eq3A_329, %jit3A_330, %jit3A_327 : i32
    %rem3A_332 = vector.broadcast %select_n3A_331 : i32 to vector<16x256xi32>
    %rem3A_333 = arith.remsi %select_n3A_326, %rem3A_332 : vector<16x256xi32>
    %ne3A_334 = arith.constant 0 : i32
    %ne3A_335 = vector.broadcast %ne3A_334 : i32 to vector<16x256xi32>
    %ne3A_336 = arith.cmpi ne, %rem3A_333, %ne3A_335 : vector<16x256xi32>
    %lt3A_337 = arith.constant 0 : i32
    %lt3A_338 = vector.broadcast %lt3A_337 : i32 to vector<16x256xi32>
    %lt3A_339 = arith.cmpi slt, %rem3A_333, %lt3A_338 : vector<16x256xi32>
    %lt3A_340 = arith.constant 0 : i32
    %lt3A_341 = arith.cmpi slt, %select_n3A_331, %lt3A_340 : i32
    %ne3A_342 = vector.broadcast %lt3A_341 : i1 to vector<16x256xi1>
    %ne3A_343 = vector.broadcast %ne3A_342 : vector<16x256xi1> to vector<16x256xi1>
    %ne3A_344 = arith.xori %lt3A_339, %ne3A_343 : vector<16x256xi1>
    %and3A_345 = arith.andi %ne3A_344, %ne3A_336 : vector<16x256xi1>
    %add3A_346 = vector.broadcast %select_n3A_331 : i32 to vector<16x256xi32>
    %add3A_347 = arith.addi %rem3A_333, %add3A_346 : vector<16x256xi32>
    %select_n3A_348 = arith.select %and3A_345, %add3A_347, %rem3A_333 : vector<16x256xi1>, vector<16x256xi32>
    %mul3A_349 = arith.constant 2 : i32
    %mul3A_350 = vector.broadcast %mul3A_349 : i32 to vector<16x256xi32>
    %mul3A_351 = arith.muli %select_n3A_348, %mul3A_350 : vector<16x256xi32>
    %add3A_352 = arith.addi %mul3A_298, %mul3A_351 : vector<16x256xi32>
    %jit3A_353 = arith.constant 128 : i32
    %div3A_354 = vector.broadcast %jit3A_353 : i32 to vector<16x256xi32>
    %div3A_355 = arith.divsi %iota3A_282, %div3A_354 : vector<16x256xi32>
    %sign3A_356 = arith.constant 0 : i32
    %sign3A_357 = vector.broadcast %sign3A_356 : i32 to vector<16x256xi32>
    %sign3A_358 = arith.cmpi sgt, %iota3A_282, %sign3A_357 : vector<16x256xi32>
    %sign3A_359 = arith.extui %sign3A_358 : vector<16x256xi1> to vector<16x256xi32>
    %sign3A_360 = arith.constant 0 : i32
    %sign3A_361 = vector.broadcast %sign3A_360 : i32 to vector<16x256xi32>
    %sign3A_362 = arith.cmpi slt, %iota3A_282, %sign3A_361 : vector<16x256xi32>
    %sign3A_363 = arith.extui %sign3A_362 : vector<16x256xi1> to vector<16x256xi32>
    %sign3A_364 = arith.subi %sign3A_359, %sign3A_363 : vector<16x256xi32>
    %sign3A_365 = arith.constant 0 : i32
    %sign3A_366 = arith.cmpi sgt, %jit3A_353, %sign3A_365 : i32
    %sign3A_367 = arith.extui %sign3A_366 : i1 to i32
    %sign3A_368 = arith.constant 0 : i32
    %sign3A_369 = arith.cmpi slt, %jit3A_353, %sign3A_368 : i32
    %sign3A_370 = arith.extui %sign3A_369 : i1 to i32
    %sign3A_371 = arith.subi %sign3A_367, %sign3A_370 : i32
    %ne3A_372 = vector.broadcast %sign3A_371 : i32 to vector<16x256xi32>
    %ne3A_373 = arith.cmpi ne, %sign3A_364, %ne3A_372 : vector<16x256xi32>
    %rem3A_374 = vector.broadcast %jit3A_353 : i32 to vector<16x256xi32>
    %rem3A_375 = arith.remsi %iota3A_282, %rem3A_374 : vector<16x256xi32>
    %ne3A_376 = arith.constant 0 : i32
    %ne3A_377 = vector.broadcast %ne3A_376 : i32 to vector<16x256xi32>
    %ne3A_378 = arith.cmpi ne, %rem3A_375, %ne3A_377 : vector<16x256xi32>
    %and3A_379 = arith.andi %ne3A_373, %ne3A_378 : vector<16x256xi1>
    %sub3A_380 = arith.constant 1 : i32
    %sub3A_381 = vector.broadcast %sub3A_380 : i32 to vector<16x256xi32>
    %sub3A_382 = arith.subi %div3A_355, %sub3A_381 : vector<16x256xi32>
    %select_n3A_383 = arith.select %and3A_379, %sub3A_382, %div3A_355 : vector<16x256xi1>, vector<16x256xi32>
    %add3A_384 = arith.addi %add3A_352, %select_n3A_383 : vector<16x256xi32>
    %eq3A_385 = arith.cmpi eq, %iota3A, %add3A_384 : vector<16x256xi32>
    %convert_element_type3A_386 = arith.extui %eq3A_385 : vector<16x256xi1> to vector<16x256xi32>
    %convert_element_type3A_387 = arith.sitofp %convert_element_type3A_386 : vector<16x256xi32> to vector<16x256xf32>
    %dot_general3A_388 = arith.constant dense<0.000000e+00> : vector<1024x256xf32>
    %dot_general3A_389 = tpu.matmul %get3A_281, %convert_element_type3A_387, %dot_general3A_388 {dimension_numbers = #tpu.dot_dimension_numbers<[1], [0], [0], [1], [0, 0, 1, 1], [], []>, transpose_lhs_hint = false} : vector<1024x16xf32>, vector<16x256xf32>, vector<1024x256xf32> -> vector<1024x256xf32>
    %mul3A_390 = arith.constant 2.000000e+00 : f32
    %mul3A_391 = vector.broadcast %mul3A_390 : f32 to vector<1024x256xf32>
    %mul3A_392 = arith.mulf %mul3A_391, %dot_general3A_389 : vector<1024x256xf32>
    %add3A_393 = arith.addf %dot_general3A_278, %mul3A_392 : vector<1024x256xf32>
    %mul3A_394 = arith.mulf %concatenate3A_274, %add3A_393 : vector<1024x256xf32>
    %get3A_395 = arith.constant 0 : index
    %get3A_396 = arith.constant 0 : index
    %get3A_397 = vector.load %arg2[%get3A_395, %get3A_396] : memref<256x16xf32, #tpu.memory_space<vmem>>, vector<256x16xf32>
    %dot_general3A_398 = arith.constant dense<0.000000e+00> : vector<1024x16xf32>
    %dot_general3A_399 = tpu.matmul %mul3A_394, %get3A_397, %dot_general3A_398 {dimension_numbers = #tpu.dot_dimension_numbers<[1], [0], [0], [1], [0, 0, 1, 1], [], []>, transpose_lhs_hint = false} : vector<1024x256xf32>, vector<256x16xf32>, vector<1024x16xf32> -> vector<1024x16xf32>
    %get3A_400 = arith.constant 0 : index
    %get3A_401 = arith.constant 0 : index
    %get3A_402 = vector.load %arg3[%get3A_400, %get3A_401] : memref<256x16xf32, #tpu.memory_space<vmem>>, vector<256x16xf32>
    %dot_general3A_403 = arith.constant dense<0.000000e+00> : vector<1024x16xf32>
    %dot_general3A_404 = tpu.matmul %concatenate3A_274, %get3A_402, %dot_general3A_403 {dimension_numbers = #tpu.dot_dimension_numbers<[1], [0], [0], [1], [0, 0, 1, 1], [], []>, transpose_lhs_hint = false} : vector<1024x256xf32>, vector<256x16xf32>, vector<1024x16xf32> -> vector<1024x16xf32>
    %get3A_405 = arith.constant 0 : index
    %get3A_406 = arith.constant 0 : index
    %get3A_407 = vector.load %arg5[%get3A_405, %get3A_406] : memref<1024x1xf32, #tpu.memory_space<vmem>>, vector<1024x1xf32>
    %add3A_408 = vector.broadcast %get3A_407 : vector<1024x1xf32> to vector<1024x16xf32>
    %add3A_409 = arith.addf %dot_general3A_404, %add3A_408 : vector<1024x16xf32>
    %get3A_410 = arith.constant 0 : index
    %get3A_411 = arith.constant 0 : index
    %get3A_412 = vector.load %arg6[%get3A_410, %get3A_411] : memref<1024x1xf32, #tpu.memory_space<vmem>>, vector<1024x1xf32>
    %add3A_413 = vector.broadcast %get3A_412 : vector<1024x1xf32> to vector<1024x16xf32>
    %add3A_414 = arith.addf %dot_general3A_399, %add3A_413 : vector<1024x16xf32>
    %mul3A_415 = arith.constant 8.68055562E-4 : f32
    %mul3A_416 = vector.broadcast %mul3A_415 : f32 to vector<1024x16xf32>
    %mul3A_417 = arith.mulf %add3A_414, %mul3A_416 : vector<1024x16xf32>
    %mul3A_418 = arith.mulf %add3A_409, %add3A_409 : vector<1024x16xf32>
    %sub3A_419 = arith.subf %mul3A_417, %mul3A_418 : vector<1024x16xf32>
    %add3A_420 = arith.constant 9.99999997E-7 : f32
    %add3A_421 = vector.broadcast %add3A_420 : f32 to vector<1024x16xf32>
    %add3A_422 = arith.addf %sub3A_419, %add3A_421 : vector<1024x16xf32>
    %rsqrt3A = math.rsqrt %add3A_422 : vector<1024x16xf32>
    %get3A_423 = arith.constant 0 : index
    %get3A_424 = arith.constant 0 : index
    %get3A_425 = vector.load %arg7[%get3A_423, %get3A_424] : memref<256x512xbf16, #tpu.memory_space<vmem>>, vector<256x512xbf16>
    %dot_general3A_426 = arith.constant dense<0.000000e+00> : vector<1024x512xf32>
    %dot_general3A_427 = tpu.matmul %convert_element_type3A, %get3A_425, %dot_general3A_426 {dimension_numbers = #tpu.dot_dimension_numbers<[1], [0], [0], [1], [0, 0, 1, 1], [], []>, transpose_lhs_hint = false} : vector<1024x256xbf16>, vector<256x512xbf16>, vector<1024x512xf32> -> vector<1024x512xf32>
    %get3A_428 = arith.constant 0 : index
    %get3A_429 = arith.constant 0 : index
    %get3A_430 = vector.load %arg8[%get3A_428, %get3A_429] : memref<1024x512xf32, #tpu.memory_space<vmem>>, vector<1024x512xf32>
    %add3A_431 = arith.addf %dot_general3A_427, %get3A_430 : vector<1024x512xf32>
    %iota3A_432 = tpu.iota {dimensions = array<i32: 0>} : vector<16x512xi32>
    %iota3A_433 = tpu.iota {dimensions = array<i32: 1>} : vector<16x512xi32>
    %jit3A_434 = arith.constant 32 : i32
    %div3A_435 = vector.broadcast %jit3A_434 : i32 to vector<16x512xi32>
    %div3A_436 = arith.divsi %iota3A_433, %div3A_435 : vector<16x512xi32>
    %sign3A_437 = arith.constant 0 : i32
    %sign3A_438 = vector.broadcast %sign3A_437 : i32 to vector<16x512xi32>
    %sign3A_439 = arith.cmpi sgt, %iota3A_433, %sign3A_438 : vector<16x512xi32>
    %sign3A_440 = arith.extui %sign3A_439 : vector<16x512xi1> to vector<16x512xi32>
    %sign3A_441 = arith.constant 0 : i32
    %sign3A_442 = vector.broadcast %sign3A_441 : i32 to vector<16x512xi32>
    %sign3A_443 = arith.cmpi slt, %iota3A_433, %sign3A_442 : vector<16x512xi32>
    %sign3A_444 = arith.extui %sign3A_443 : vector<16x512xi1> to vector<16x512xi32>
    %sign3A_445 = arith.subi %sign3A_440, %sign3A_444 : vector<16x512xi32>
    %sign3A_446 = arith.constant 0 : i32
    %sign3A_447 = arith.cmpi sgt, %jit3A_434, %sign3A_446 : i32
    %sign3A_448 = arith.extui %sign3A_447 : i1 to i32
    %sign3A_449 = arith.constant 0 : i32
    %sign3A_450 = arith.cmpi slt, %jit3A_434, %sign3A_449 : i32
    %sign3A_451 = arith.extui %sign3A_450 : i1 to i32
    %sign3A_452 = arith.subi %sign3A_448, %sign3A_451 : i32
    %ne3A_453 = vector.broadcast %sign3A_452 : i32 to vector<16x512xi32>
    %ne3A_454 = arith.cmpi ne, %sign3A_445, %ne3A_453 : vector<16x512xi32>
    %rem3A_455 = vector.broadcast %jit3A_434 : i32 to vector<16x512xi32>
    %rem3A_456 = arith.remsi %iota3A_433, %rem3A_455 : vector<16x512xi32>
    %ne3A_457 = arith.constant 0 : i32
    %ne3A_458 = vector.broadcast %ne3A_457 : i32 to vector<16x512xi32>
    %ne3A_459 = arith.cmpi ne, %rem3A_456, %ne3A_458 : vector<16x512xi32>
    %and3A_460 = arith.andi %ne3A_454, %ne3A_459 : vector<16x512xi1>
    %sub3A_461 = arith.constant 1 : i32
    %sub3A_462 = vector.broadcast %sub3A_461 : i32 to vector<16x512xi32>
    %sub3A_463 = arith.subi %div3A_436, %sub3A_462 : vector<16x512xi32>
    %select_n3A_464 = arith.select %and3A_460, %sub3A_463, %div3A_436 : vector<16x512xi1>, vector<16x512xi32>
    %eq3A_465 = arith.cmpi eq, %iota3A_432, %select_n3A_464 : vector<16x512xi32>
    %convert_element_type3A_466 = arith.extui %eq3A_465 : vector<16x512xi1> to vector<16x512xi32>
    %convert_element_type3A_467 = arith.sitofp %convert_element_type3A_466 : vector<16x512xi32> to vector<16x512xf32>
    %dot_general3A_468 = arith.constant dense<0.000000e+00> : vector<1024x512xf32>
    %dot_general3A_469 = tpu.matmul %rsqrt3A, %convert_element_type3A_467, %dot_general3A_468 {dimension_numbers = #tpu.dot_dimension_numbers<[1], [0], [0], [1], [0, 0, 1, 1], [], []>, transpose_lhs_hint = false} : vector<1024x16xf32>, vector<16x512xf32>, vector<1024x512xf32> -> vector<1024x512xf32>
    %mul3A_470 = arith.mulf %rsqrt3A, %add3A_409 : vector<1024x16xf32>
    %dot_general3A_471 = arith.constant dense<0.000000e+00> : vector<1024x512xf32>
    %dot_general3A_472 = tpu.matmul %mul3A_470, %convert_element_type3A_467, %dot_general3A_471 {dimension_numbers = #tpu.dot_dimension_numbers<[1], [0], [0], [1], [0, 0, 1, 1], [], []>, transpose_lhs_hint = false} : vector<1024x16xf32>, vector<16x512xf32>, vector<1024x512xf32> -> vector<1024x512xf32>
    %mul3A_473 = arith.mulf %dot_general3A_469, %add3A_431 : vector<1024x512xf32>
    %get3A_474 = arith.constant 0 : index
    %get3A_475 = arith.constant 0 : index
    %get3A_476 = arith.constant 0 : index
    %get3A_477 = vector.load %arg9[%get3A_474, %get3A_475, %get3A_476] : memref<2x1x512xf32, #tpu.memory_space<vmem>>, vector<1x1x512xf32>
    %get3A_478 = vector.shape_cast %get3A_477 : vector<1x1x512xf32> to vector<1x512xf32>
    %mul3A_479 = vector.broadcast %get3A_478 : vector<1x512xf32> to vector<1024x512xf32>
    %mul3A_480 = arith.mulf %dot_general3A_472, %mul3A_479 : vector<1024x512xf32>
    %sub3A_481 = arith.subf %mul3A_473, %mul3A_480 : vector<1024x512xf32>
    %get3A_482 = arith.constant 1 : index
    %get3A_483 = arith.constant 0 : index
    %get3A_484 = arith.constant 0 : index
    %get3A_485 = vector.load %arg9[%get3A_482, %get3A_483, %get3A_484] : memref<2x1x512xf32, #tpu.memory_space<vmem>>, vector<1x1x512xf32>
    %get3A_486 = vector.shape_cast %get3A_485 : vector<1x1x512xf32> to vector<1x512xf32>
    %add3A_487 = vector.broadcast %get3A_486 : vector<1x512xf32> to vector<1024x512xf32>
    %add3A_488 = arith.addf %sub3A_481, %add3A_487 : vector<1024x512xf32>
    %swap3A = arith.constant 0 : index
    %swap3A_489 = arith.constant 0 : index
    %swap3A_490 = vector.load %arg10[%swap3A, %swap3A_489] : memref<1024x512xf32, #tpu.memory_space<vmem>>, vector<1024x512xf32>
    tpu.vector_store %arg10[%swap3A, %swap3A_489], %add3A_488 {strides = array<i32>} : memref<1024x512xf32, #tpu.memory_space<vmem>>, vector<1024x512xf32>,
    return
  }
}

</mosaic_0001>

<sc_bundles>
// kernel: kernel.5.cloned.1.call-start
scs
__scs_entry_jumppad:
0x0: {  	(pc) =	sbr.rel $0x88, $3  }
0x1: {  	(tag) =	ssettag $0x0;
	lr =	simm.s32 $0x1  }
0x2: {  	[smem:$0x3F91] =	sst lr;
	_ =	strace $0xD0000000  }
0x3: {  	_ = 	snop  }
0x4: {  	_ = 	snop  }
0x5: {  	_ = 	snop  }
0x6: {  	_ = 	snop  }
0x7: {  	_ = 	snop  }
__scs_overlays_trampoline_lowered:
0x8: {  	[smem:$0x3FA0] =	sst s0  }
0x9: {  	[smem:$0x3FA1] =	sst s1  }
0xa: {  	[smem:$0x3FA2] =	sst s2  }
0xb: {  	[smem:$0x3FA3] =	sst s3  }
0xc: {  	[smem:$0x3FA4] =	sst s4  }
0xd: {  	[smem:$0x3FA5] =	sst s5  }
0xe: {  	[smem:$0x3FA6] =	sst s6  }
0xf: {  	[smem:$0x3FA7] =	sst s7  }
0x10: {  	[smem:$0x3FA8] =	sst s8  }
0x11: {  	[smem:$0x3FA9] =	sst s9;
	s0 =	simm.s32 @!p0 $0x0  }
0x12: {  	s1 =	sld [smem:$0x3F8F];
	s0 =	simm.s32 @p0 $0x1  }
0x13: {  	[smem:$0x3FAA] =	sst s0;
	s0 =	simm.s32 @!p1 $0x0  }
0x14: {  	s2 =	sld [smem:$0x3F8E];
	s0 =	simm.s32 @p1 $0x1  }
0x15: {  	[smem:$0x3FAB] =	sst s0;
	s0 =	simm.s32 @!p2 $0x0  }
0x16: {  	s3 =	sld [smem:$0x3FDB];
	s0 =	simm.s32 @p2 $0x1  }
0x17: {  	s4 =	simm.s32 $0x1BF5;
	[smem:$0x3FAD] =	sst s0  }
0x18: {  	s0 =	sld [smem:$0x3F90];
	_ =	swait.ge [sflag:s4], $0x0  }
0x19: {  	s7 =	sld [smem:$0x3F91]  }
0x1a: {  	s8 =	sadd.s32 $0xFFFFE003, lr  }
0x1b: {  	s9 =	sadd.s32 $0xFFFFFEF7, lr;
	s5 =	simm.s32 $0xFFFFFFFF;
	p2 =	slt.u32 s8, $0xFFFFF086  }
0x1c: {  	p1 =	slt.u32 s9, $0xF7A;
	s5 =	simm.s32 @!p2 $0x0  }
0x1d: {  	s5 =	simm.s32 @p1 $0x1;
	p0 =	seq.s32 s7, s2  }
0x1e: {  	s7 =	smul.u32 @!p0 $0xF7A, s2;
	p2 =	seq.s32 @!p0 s5, $0x0  }
0x1f: {  	s9 =	smul.u32 $0xF7A, s1;
	s8 =	simm.s32 @!p0 $0x1BF5;
	p2 =	por !p2, p0  }
0x20: {  	[sflag:s8] =	ssyncset.s32 @!p0 $0xFFFFF086;
	s6 =	sadd.s32 @!p0 s3, s7;
	s7 =	simm.s32 @!p0 $0x108  }
0x21: {  	s3 =	sadd.s32 s3, s9;
	s6 =	sadd.s32 @!p0 $0x88, s6;
	s7 =	simm.s32 @p2 $0x1082  }
0x22: {  	[simem:s7], [sflag:s8] =	dma.local @!p0 [hbm:s6], $0xF7A  }
0x23: {  	s9 =	sor.u32 $0xD0000000, s2;
	s6 =	simm.s32 $0x108;
	_ =	swait.ge @!p0 [sflag:s8], $0x0  }
0x24: {  	s3 =	sadd.s32 $0x88, s3;
	s6 =	simm.s32 @!p1 $0x1082;
	[sflag:s4] =	ssyncset.s32 $0xFFFFF086  }
0x25: {  	[simem:s6], [sflag:s4] =	dma.local [hbm:s3], $0xF7A  }
0x26: {  	[smem:$0x3F91] =	sst s1;
	(tag) =	ssettag s2;
	_ =	strace s9  }
0x27: {  	s1 =	sld [smem:$0x3FA1]  }
0x28: {  	s2 =	sld [smem:$0x3FA2]  }
0x29: {  	s4 =	sld [smem:$0x3FA4]  }
0x2a: {  	p0 =	seq.s32 s5, $0x0;
	s5 =	sld [smem:$0x3FA5]  }
0x2b: {  	s6 =	sld [smem:$0x3FA6]  }
0x2c: {  	s7 =	sld [smem:$0x3FA7]  }
0x2d: {  	s3 =	simm.s32 $0x108;
	s8 =	sld [smem:$0x3FA8]  }
0x2e: {  	s3 =	simm.s32 @!p0 $0x1082;
	s9 =	sld [smem:$0x3FA9]  }
0x2f: {  	lr =	sadd.s32 s0, s3;
	s0 =	sld [smem:$0x3FA0]  }
0x30: {  	s3 =	sld [smem:$0x3FA3]  }
0x31: {  	[smem:$0x3FAC] =	sst s10  }
0x32: {  	s10 =	sld [smem:$0x3FAA];
	_ =	sdelay $0x3  }
0x33: {  	p0 =	seq.s32 s10, $0x1;
	s10 =	sld [smem:$0x3FAC];
	_ =	sdelay $0x3  }
0x34: {  	[smem:$0x3FAC] =	sst s10  }
0x35: {  	s10 =	sld [smem:$0x3FAB];
	_ =	sdelay $0x3  }
0x36: {  	p1 =	seq.s32 s10, $0x1;
	s10 =	sld [smem:$0x3FAC];
	_ =	sdelay $0x3  }
0x37: {  	[smem:$0x3FAC] =	sst s10  }
0x38: {  	s10 =	sld [smem:$0x3FAD]  }
0x39: {  	_ = 	snop;
	(pc) =	sbr.ind lr, $3  }
0x3a: {  	_ = 	snop  }
0x3b: {  	_ = 	snop  }
0x3c: {  	p2 =	seq.s32 s10, $0x1;
	s10 =	sld [smem:$0x3FAC]  }
0x3d: {  	_ =	shalt  }
0x3e: {  	_ =	shalt  }
0x3f: {  	_ =	shalt  }
0x40: {  	_ =	shalt  }
0x41: {  	_ =	shalt  }
0x42: {  	_ =	shalt  }
0x43: {  	_ =	shalt  }
0x44: {  	_ =	shalt  }
0x45: {  	_ =	shalt  }
0x46: {  	_ =	shalt  }
0x47: {  	_ =	shalt  }
0x48: {  	_ =	shalt  }
0x49: {  	_ =	shalt  }
0x4a: {  	_ =	shalt  }
0x4b: {  	_ =	shalt  }
0x4c: {  	_ =	shalt  }
0x4d: {  	_ =	shalt  }
0x4e: {  	_ =	shalt  }
0x4f: {  	_ =	shalt  }
0x50: {  	_ =	shalt  }
0x51: {  	_ =	shalt  }
0x52: {  	_ =	shalt  }
0x53: {  	_ =	shalt  }
0x54: {  	_ =	shalt  }
0x55: {  	_ =	shalt  }
0x56: {  	_ =	shalt  }
0x57: {  	_ =	shalt  }
0x58: {  	_ =	shalt  }
0x59: {  	_ =	shalt  }
0x5a: {  	_ =	shalt  }
0x5b: {  	_ =	shalt  }
0x5c: {  	_ =	shalt  }
0x5d: {  	_ =	shalt  }
0x5e: {  	_ =	shalt  }
0x5f: {  	_ =	shalt  }
0x60: {  	_ =	shalt  }
0x61: {  	_ =	shalt  }
0x62: {  	_ =	shalt  }
0x63: {  	_ =	shalt  }
0x64: {  	_ =	shalt  }
0x65: {  	_ =	shalt  }
0x66: {  	_ =	shalt  }
0x67: {  	_ =	shalt  }
0x68: {  	_ =	shalt  }
0x69: {  	_ =	shalt  }
0x6a: {  	_ =	shalt  }
0x6b: {  	_ =	shalt  }
0x6c: {  	_ =	shalt  }
0x6d: {  	_ =	shalt  }
0x6e: {  	_ =	shalt  }
0x6f: {  	_ =	shalt  }
0x70: {  	_ =	shalt  }
0x71: {  	_ =	shalt  }
0x72: {  	_ =	shalt  }
0x73: {  	_ =	shalt  }
0x74: {  	_ =	shalt  }
0x75: {  	_ =	shalt  }
0x76: {  	_ =	shalt  }
0x77: {  	_ =	shalt  }
0x78: {  	_ =	shalt  }
0x79: {  	_ =	shalt  }
0x7a: {  	_ =	shalt  }
0x7b: {  	_ =	shalt  }
0x7c: {  	_ =	shalt  }
0x7d: {  	_ =	shalt  }
0x7e: {  	_ =	shalt  }
0x7f: {  	_ =	shalt  }
0x80: {  	_ =	shalt  }
0x81: {  	_ =	shalt  }
0x82: {  	_ =	shalt  }
0x83: {  	_ =	shalt  }
0x84: {  	_ =	shalt  }
0x85: {  	_ =	shalt  }
0x86: {  	_ =	shalt  }
0x87: {  	_ =	shalt  }
.Lfunc_end0:
.L_simem_size_0:
called_computation_lowered:
.L_overlay_start_0:
0x88: {  	s2 =	sld [smem:$0x3FD9]  }
0x89: {  	s3 =	sld [smem:$0x3FFE];
	_ =	sdelay $0x1  }
0x8a: {  	s1 =	srdreg.scid  }
0x8b: {  	s0 =	sand.u32 $0x1, s1  }
0x8c: {  	s18 =	sshll.u32 s0, $0xA;
	s2 =	sadd.s32 s3, s2  }
0x8d: {  	s2 =	sadd.s32 s2, s18  }
0x8e: {  	[smem:$0x3FB8] =	sst s2  }
0x8f: {  	_ = 	snop  }
0x90: {  	s2 =	sld [smem:$0x3FC7]  }
0x91: {  	s19 =	sld [smem:$0x3FBE]  }
0x92: {  	s4 =	sld [smem:$0x3FD0];
	(tm) =	ssettm $0x1  }
0x93: {  	s5 =	sld [smem:$0x3FFB];
	_ =	sdelay $0x3  }
0x94: {  	_ =	strace s5  }
0x95: {  	s5 =	sld [smem:$0x3FFC];
	_ =	sdelay $0x3  }
0x96: {  	_ =	strace s5  }
0x97: {  	s5 =	sld [smem:$0x3FFD];
	_ =	sdelay $0x3  }
0x98: {  	_ =	strace s5  }
0x99: {  	_ =	strace $0x8FFFFFFF  }
0x9a: {  	s20 =	sld [smem:$0x3FDB];
	_ =	sdelay $0x1  }
0x9b: {  	s6 =	simm.s32 $_scs_section_size  }
0x9c: {  	s7 =	simm.s32 $_size__tile_overlayer_lowered;
	s8 =	simm.s32 $_tile_overlayer_lowered  }
0x9d: {  	s23 =	simm.s32 $0x1BFF;
	s22 =	sshll.u32 s8, $0x1;
	s5 =	sadd.s32 s6, s20  }
0x9e: {  	s9 =	simm.s32 $0x0;
	s21 =	sshll.u32 s7, $0x1;
	s7 =	sadd.s32 s22, s5  }
0x9f: {  	[timem:s9], [sflag:s23] =	dma.local [hbm:s7], s21  }
0xa0: {  	_ =	swait.ge [sflag:s23], s21  }
0xa1: {  	s6 =	ssub.s32 $0x0, s21;
	[sflag:s23] =	ssyncset.done $0x0  }
0xa2: {  	[sflag:s23] =	ssyncadd.s32 s6;
	_ =	sdelay $0x1  }
0xa3: {  	s24 =	simm.s32 $0x1B8B  }
0xa4: {  	_ =	swait.ge [sflag:s24], $0x1  }
0xa5: {  	[sflag:s24] =	ssyncset.done $0x0  }
0xa6: {  	s25 =	simm.s32 $0x1B8E;
	[sflag:s24] =	ssyncadd.s32 $0xFFFFFFFF  }
0xa7: {  	s26 =	simm.s32 $execute0_lowered;
	[smem:$0x3FD2] =	sst s25  }
0xa8: {  	s6 =	sshll.u32 s26, $0x1;
	_ =	strace $0x80000046;
	[dreg:$0x1] =	wrdreg $0xFFFFFFFF  }
0xa9: {  	s28 =	simm.s32 $_size_execute0_lowered;
	s5 =	sadd.s32 s5, s6;
	[dreg:$0x0] =	wrdreg $0x0  }
0xaa: {  	s6 =	sshll.u32 s28, $0x1;
	[dreg:$0x2] =	wrdreg s5  }
0xab: {  	[dreg:$0x3] =	wrdreg s6  }
0xac: {  	[dreg:$0x4] =	wrdreg $0xC0  }
0xad: {  	_ =	task [dreg:s9], $0x5FFFF  }
0xae: {  	[dreg:$0x1] =	wrdreg $0xFFFFFFFF  }
0xaf: {  	[dreg:$0x0] =	wrdreg $0x60  }
0xb0: {  	[dreg:$0x2] =	wrdreg s19  }
0xb1: {  	[dreg:$0x3] =	wrdreg s2  }
0xb2: {  	[dreg:$0x4] =	wrdreg s4  }
0xb3: {  	[dreg:$0x5] =	wrdreg $0x9  }
0xb4: {  	_ =	task.clear_ibuf [dreg:s9], $0x6FFFF;
	_ =	strace $0x90000046  }
0xb5: {  	s29 =	simm.s32 $0x9;
	_ =	strace $0x80000048  }
0xb6: {  	_ =	swait.ge [sflag:s29], $0x1  }
0xb7: {  	[sflag:s29] =	ssyncadd.s32 $0xFFFFFFFF  }
0xb8: {  	_ =	strace $0x90000048  }
0xb9: {  	_ =	sfence  }
0xba: {  	s30 =	sld [smem:$0x0];
	_ =	sdelay $0x2  }
0xbb: {  	s31 =	sshll.u32 s1, $0xD;
	s1 =	sshrl.u32 s1, $0x2  }
0xbc: {  	s3 =	sand.u32 $0x4000, s31;
	s1 =	sadd.s32 s1, s30  }
0xbd: {  	s0 =	sor.u32 s3, s0;
	s1 =	sshll.u32 s1, $0x11  }
0xbe: {  	s0 =	sor.u32 s1, s0  }
0xbf: {  	s0 =	sadd.s32 $0x8F2B, s0  }
0xc0: {  	[sflag:s0] =	ssyncadd.remote.s32 $0x1  }
0xc1: {  	_ =	sfence.sel $0xFFFF  }
0xc2: {  	[dreg:$0x0] =	wrdreg $0xFFFFFFFF;
	(pc) =	sbr.abs _section_cstart, $3  }
0xc3: {  	[dreg:$0x1] =	wrdreg $0xFFFFFFFF  }
0xc4: {  	_ =	task.clear_ibuf [dreg:s9], $0x2FFFF;
	_ =	strace $0x9FFFFFFF  }
0xc5: {  	(tm) =	ssettm $0x7FFFFFFF  }
tec
execute0_lowered:
.L_overlay_start_1:
0x0: {  	(tag) =	ssettag $0x1  }
0x1: {  	s0 =	srdreg.scid  }
0x2: {  	s20 =	sand.u32 $0x1, s0;
	s0 =	stileid.u32  }
0x3: {  	s5 =	sshll.u32 s0, $0x1;
	s6 =	ssub.s32 $0x0, s20  }
0x4: {  	p0 =	sne.s32 s5, s6  }
.Ltmp0:
0x5: {  	_ = 	snop;
	(pc) =	sbr.rel @p0 .LBB2_4-.Ltmp0, $4  }
0x6: {  	s2 =	rddreg [dreg:$0x0]  }
0x7: {  	s3 =	rddreg [dreg:$0x1]  }
0x8: {  	s4 =	rddreg [dreg:$0x2]  }
0x9: {  	s1 =	rddreg [dreg:$0x3];
	_ =	strace $0x80000047  }
0xa: {  	s6 =	simm.s32 $0x0;
	s5 =	simm.s32 $0x2  }
0xb: {  	[tilespmem:s6], [sflag:$0x2] =	stream.linear.gather [hbm4b:s3+s6], $0x80, $0x38;
	[tilespmem:$0x4880] =	vst v63  }
0xc: {  	_ =	swait.ge [sflag:s5], $0x80  }
0xd: {  	[sflag:s5] =	ssyncset.done $0x0  }
0xe: {  	[sflag:s5] =	ssyncadd.s32 $0xFFFFFF80  }
0xf: {  	v0 =	vld [tilespmem:$0x0];
	_ =	sdelay $0x4  }
0x10: {  	v1 =	vshrl.u32 v0, $0x3  }
0x11: {  	v1 =	vmul.u32 $0x48, v1  }
0x12: {  	v2 =	vlaneseq.u32;
	v3 =	vand.u32 $0x7, v0  }
0x13: {  	v4 =	vshrl.u32 v2, $0x3;
	v0 =	vand.u32 $0x7, v2;
	v3 =	vor.u32 v3, v1  }
0x14: {  	v1 =	vmul.u32 $0x8, v4;
	v63 =	vperm.xlane v3, v0;
	_ =	sdelay $0x1  }
0x15: {  	v4 =	vadd.s32 v1, v63;
	_ =	sdelay $0x3  }
0x16: {  	vm0 =	vmmov $0xffff;
	s7 =	simm.s32 $0x80  }
0x17: {  	[tilespmem:s7], [sflag:$0x1] =	stream.indirect_vreg.gather [hbm4b:s2+s6], $0x80, v4, vm0, $0xb8;
	[tilespmem:$0x4880] =	vst v63  }
0x18: {  	s8 =	sadd.s32 $0x100, s2;
	s9 =	simm.s32 $0x880  }
0x19: {  	v2 =	vor.u32 $0x8, v2;
	[tilespmem:s9], [sflag:$0x1] =	stream.indirect_vreg.gather [hbm4b:s8+s6], $0x80, v4, vm0, $0xb8;
	[tilespmem:$0x4880] =	vst v63  }
0x1a: {  	s10 =	sadd.s32 $0x200, s2;
	s11 =	simm.s32 $0x1080;
	v3 =	vperm.xlane v3, v2  }
0x1b: {  	[tilespmem:s11], [sflag:$0x1] =	stream.indirect_vreg.gather [hbm4b:s10+s6], $0x80, v4, vm0, $0xb8;
	[tilespmem:$0x4880] =	vst v63  }
0x1c: {  	s12 =	sadd.s32 $0x300, s2;
	s13 =	simm.s32 $0x1880;
	v3 =	vadd.s32 v1, v3  }
0x1d: {  	[tilespmem:s13], [sflag:$0x1] =	stream.indirect_vreg.gather [hbm4b:s12+s6], $0x80, v4, vm0, $0xb8;
	[tilespmem:$0x4880] =	vst v63  }
0x1e: {  	s14 =	sadd.s32 $0x400, s2;
	vm1 =	vmmov $0xff;
	s15 =	simm.s32 $0x2080  }
0x1f: {  	[tilespmem:s15], [sflag:$0x1] =	stream.indirect_vreg.gather [hbm4b:s14+s6], $0x80, v4, vm1, $0xb8;
	[tilespmem:$0x4880] =	vst v63  }
0x20: {  	s16 =	simm.s32 $0x2480  }
0x21: {  	[tilespmem:s16], [sflag:$0x1] =	stream.indirect_vreg.gather [hbm4b:s2+s6], $0x80, v3, vm0, $0xb8;
	[tilespmem:$0x4880] =	vst v63  }
0x22: {  	s17 =	simm.s32 $0x2C80;
	s22 =	ssub.s32 $0x2, s20  }
0x23: {  	[tilespmem:s17], [sflag:$0x1] =	stream.indirect_vreg.gather [hbm4b:s8+s6], $0x80, v3, vm0, $0xb8;
	[tilespmem:$0x4880] =	vst v63  }
0x24: {  	s18 =	simm.s32 $0x3480;
	s23 =	sshrl.u32 s22, $0x1  }
0x25: {  	[tilespmem:s18], [sflag:$0x1] =	stream.indirect_vreg.gather [hbm4b:s10+s6], $0x80, v3, vm0, $0xb8;
	[tilespmem:$0x4880] =	vst v63  }
0x26: {  	s19 =	simm.s32 $0x3C80;
	s22 =	ssub.s32 s22, s23  }
0x27: {  	[tilespmem:s19], [sflag:$0x1] =	stream.indirect_vreg.gather [hbm4b:s12+s6], $0x80, v3, vm0, $0xb8;
	[tilespmem:$0x4880] =	vst v63  }
0x28: {  	s20 =	simm.s32 $0x4480;
	s21 =	simm.s32 $0x1;
	s22 =	smax.u32 s22, $0x1  }
0x29: {  	[tilespmem:s20], [sflag:$0x1] =	stream.indirect_vreg.gather [hbm4b:s14+s6], $0x80, v3, vm1, $0xb8;
	[tilespmem:$0x4880] =	vst v63  }
0x2a: {  	p0 =	sne.s32 s22, $0x1;
	_ =	swait.ge [sflag:s21], $0x4800  }
.Ltmp1:
0x2b: {  	[sflag:s21] =	ssyncset.done $0x0;
	(pc) =	sbr.rel @!p0 .LBB2_3-.Ltmp1, $4  }
0x2c: {  	[sflag:s21] =	ssyncadd.s32 $0xFFFFB800  }
0x2d: {  	[hbm4b:s4+s6] =	stream.linear.scatter [tilespmem:s7], [sflag:$0x2], $0x4800, $0x38;
	[tilespmem:$0x4880] =	vst v63  }
0x2e: {  	_ =	swait.ge [sflag:s5], $0x4800  }
0x2f: {  	s22 =	sadd.s32 $0xFFFFFFFF, s22;
	[sflag:s5] =	ssyncset.done $0x0  }
.LBB2_2:
0x30: {  	p0 =	sne.s32 s22, $0x1;
	s22 =	sadd.s32 $0xFFFFFFFF, s22;
	[sflag:s5] =	ssyncadd.s32 $0xFFFFB800  }
0x31: {  	[tilespmem:s6], [sflag:$0x2] =	stream.linear.gather [hbm4b:s3+s6], $0x80, $0x38;
	[tilespmem:$0x4880] =	vst v63  }
0x32: {  	_ =	swait.ge [sflag:s5], $0x80  }
0x33: {  	[sflag:s5] =	ssyncset.done $0x0  }
0x34: {  	[sflag:s5] =	ssyncadd.s32 $0xFFFFFF80  }
0x35: {  	v3 =	vld [tilespmem:$0x0];
	_ =	sdelay $0x4  }
0x36: {  	v4 =	vshrl.u32 v3, $0x3  }
0x37: {  	v4 =	vmul.u32 $0x48, v4  }
0x38: {  	v3 =	vand.u32 $0x7, v3  }
0x39: {  	v3 =	vor.u32 v3, v4  }
0x3a: {  	v4 =	vperm.xlane v3, v0;
	v3 =	vperm.xlane v3, v2;
	_ =	sdelay $0x1  }
0x3b: {  	v4 =	vadd.s32 v1, v4;
	_ =	sdelay $0x4  }
0x3c: {  	[tilespmem:s7], [sflag:$0x1] =	stream.indirect_vreg.gather [hbm4b:s2+s6], $0x80, v4, vm0, $0xb8;
	[tilespmem:$0x4880] =	vst v63  }
0x3d: {  	_ = 	snop  }
0x3e: {  	[tilespmem:s9], [sflag:$0x1] =	stream.indirect_vreg.gather [hbm4b:s8+s6], $0x80, v4, vm0, $0xb8;
	[tilespmem:$0x4880] =	vst v63  }
0x3f: {  	_ = 	snop  }
0x40: {  	[tilespmem:s11], [sflag:$0x1] =	stream.indirect_vreg.gather [hbm4b:s10+s6], $0x80, v4, vm0, $0xb8;
	[tilespmem:$0x4880] =	vst v63  }
0x41: {  	v3 =	vadd.s32 v1, v3  }
0x42: {  	[tilespmem:s13], [sflag:$0x1] =	stream.indirect_vreg.gather [hbm4b:s12+s6], $0x80, v4, vm0, $0xb8;
	[tilespmem:$0x4880] =	vst v63  }
0x43: {  	_ = 	snop  }
0x44: {  	[tilespmem:s15], [sflag:$0x1] =	stream.indirect_vreg.gather [hbm4b:s14+s6], $0x80, v4, vm1, $0xb8;
	[tilespmem:$0x4880] =	vst v63  }
0x45: {  	_ = 	snop  }
0x46: {  	[tilespmem:s16], [sflag:$0x1] =	stream.indirect_vreg.gather [hbm4b:s2+s6], $0x80, v3, vm0, $0xb8;
	[tilespmem:$0x4880] =	vst v63  }
0x47: {  	_ = 	snop  }
0x48: {  	[tilespmem:s17], [sflag:$0x1] =	stream.indirect_vreg.gather [hbm4b:s8+s6], $0x80, v3, vm0, $0xb8;
	[tilespmem:$0x4880] =	vst v63  }
0x49: {  	_ = 	snop  }
0x4a: {  	[tilespmem:s18], [sflag:$0x1] =	stream.indirect_vreg.gather [hbm4b:s10+s6], $0x80, v3, vm0, $0xb8;
	[tilespmem:$0x4880] =	vst v63  }
0x4b: {  	_ = 	snop  }
0x4c: {  	[tilespmem:s19], [sflag:$0x1] =	stream.indirect_vreg.gather [hbm4b:s12+s6], $0x80, v3, vm0, $0xb8;
	[tilespmem:$0x4880] =	vst v63  }
0x4d: {  	_ = 	snop  }
0x4e: {  	[tilespmem:s20], [sflag:$0x1] =	stream.indirect_vreg.gather [hbm4b:s14+s6], $0x80, v3, vm1, $0xb8;
	[tilespmem:$0x4880] =	vst v63  }
0x4f: {  	_ =	swait.ge [sflag:s21], $0x4800  }
.Ltmp2:
0x50: {  	[sflag:s21] =	ssyncset.done $0x0;
	(pc) =	sbr.rel @p0 .LBB2_2-.Ltmp2, $4  }
0x51: {  	[sflag:s21] =	ssyncadd.s32 $0xFFFFB800  }
0x52: {  	[hbm4b:s4+s6] =	stream.linear.scatter [tilespmem:s7], [sflag:$0x2], $0x4800, $0x38;
	[tilespmem:$0x4880] =	vst v63  }
0x53: {  	_ =	swait.ge [sflag:s5], $0x4800  }
0x54: {  	[sflag:s5] =	ssyncset.done $0x0  }
.LBB2_3:
0x55: {  	[sflag:s5] =	ssyncadd.s32 $0xFFFFB800  }
.LBB2_4:
0x56: {  	_ =	sfence.sel $0x180000  }
0x57: {  	[bflag:$0x0] =	sbarrier.arrive $0xFFFF  }
0x58: {  	p0 =	sne.s32 s0, $0x0;
	_ =	strace $0x90000047  }
0x59: {  	s0 =	sadd.s32 @!p0 $0x100000, s1;
	[bflag:$0x2] =	sbarrier.arrive $0xFFFF  }
0x5a: {  	[sflag:s0] =	ssyncadd.tile.s32 @!p0 $0x1;
	_ =	shalt  }
.Lfunc_end2:
_tile_overlayer_lowered:
.L_overlay_start_2:
0x5b: {  	(tag) =	ssettag $0x2  }
0x5c: {  	s0 =	rddreg [dreg:$0x0];
	s2 =	stileid.u32  }
0x5d: {  	s1 =	rddreg [dreg:$0x1];
	p0 =	sne.s32 s2, $0x0  }
0x5e: {  	s3 =	rddreg [dreg:$0x2];
	[bflag:$0x3] =	sbarrier.arrive $0xFFFF;
	s2 =	simm.s32 @!p0 $0x1C02  }
0x5f: {  	[timem:s3], [sflag:s2] =	dma.local @!p0 [hbm:s0], s1  }
0x60: {  	s0 =	simm.s32 @!p0 $0x2  }
0x61: {  	_ =	swait.ge @!p0 [sflag:s0], s1  }
0x62: {  	s1 =	ssub.s32 @!p0 $0x0, s1;
	[sflag:s0] =	ssyncset.done @!p0 $0x0  }
0x63: {  	[sflag:s0] =	ssyncadd.s32 @!p0 s1  }
0x64: {  	[bflag:$0x3] =	sbarrier.arrive $0xFFFF  }
0x65: {  	_ =	shalt  }

</sc_bundles>
